<compile_context>
chip_gen: v7x
topology: tpu7x:2x2x1
jax: 0.10.2.dev20260603
libtpu: 0.0.44.dev20260713+nightly
codegen_flags: <defaults>
</compile_context>

<pallas_src>
import functools

import jax
import jax.numpy as jnp
from jax import lax
from jax.experimental import pallas as pl
from jax.experimental.pallas import tpu as pltpu
from jax.experimental.pallas import tpu_sc as plsc

B = 16384
HID = 64
TXT_L = 50
FEAT_D = 128
CAT_V = 1000000

NC, NS = 2, 16
NW = NC * NS
BPW = B // NW
CHUNK = 128
NCK = BPW // CHUNK
LANES = 16

_MESH = plsc.VectorSubcoreMesh(core_axis_name="c", subcore_axis_name="s",
                               num_cores=NC, num_subcores=NS)


@functools.partial(
    pl.kernel,
    out_type=jax.ShapeDtypeStruct((B, HID), jnp.float32),
    mesh=_MESH,
    compiler_params=pltpu.CompilerParams(use_tc_tiling_on_sc=False),
    scratch_types=[
        pltpu.VMEM((TXT_L, NCK, CHUNK), jnp.int32),
        pltpu.VMEM((BPW, HID), jnp.float32),
        pltpu.SemaphoreType.DMA,
        pltpu.SemaphoreType.DMA,
    ],
)
def _sc_text(txt_hbm, ttxt_hbm, out_hbm, idx_t, acc, sem_idx, sem_txt):
  wid = lax.axis_index("s") * NC + lax.axis_index("c")
  base = wid * BPW

  pltpu.async_copy(txt_hbm.at[:, pl.ds(wid * NCK, NCK), :], idx_t,
                   sem_idx).wait()

  def fire(l, add):
    return [
        pltpu.async_copy(ttxt_hbm.at[idx_t.at[l, c]],
                         acc.at[pl.ds(c * CHUNK, CHUNK)], sem_txt, add=add)
        for c in range(NCK)
    ]

  for d in fire(0, False):
    d.wait()

  def txt_body(l, carry):
    for d in fire(l, True):
      d.wait()
    return carry
  lax.fori_loop(1, TXT_L, txt_body, 0)

  pltpu.sync_copy(acc, out_hbm.at[pl.ds(base, BPW)])


@functools.partial(
    pl.kernel,
    out_type=jax.ShapeDtypeStruct((B, HID), jnp.float32),
    mesh=_MESH,
    compiler_params=pltpu.CompilerParams(use_tc_tiling_on_sc=False),
    scratch_types=[
        pltpu.VMEM((NCK, CHUNK), jnp.int32),
        pltpu.VMEM((BPW, HID), jnp.float32),
        pltpu.SemaphoreType.DMA,
        pltpu.SemaphoreType.DMA,
    ],
)
def _sc_cat(cat_hbm, tcat_hbm, out_hbm, idx_c, rows, sem_idx, sem_cat):
  wid = lax.axis_index("s") * NC + lax.axis_index("c")
  base = wid * BPW

  pltpu.async_copy(cat_hbm.at[pl.ds(wid * NCK, NCK), :], idx_c,
                   sem_idx).wait()
  descs = [
      pltpu.async_copy(tcat_hbm.at[idx_c.at[c]],
                       rows.at[pl.ds(c * CHUNK, CHUNK)], sem_cat)
      for c in range(NCK)
  ]
  for d in descs:
    d.wait()
  pltpu.sync_copy(rows, out_hbm.at[pl.ds(base, BPW)])


_BLK = 2048
_HALF = B // _BLK


def _tc_combine(text_sum, cat_rows, len_col, user_feat, w_feat, b_feat):
  def body(text_ref, cat_ref, len_ref, x_ref, w_ref, b_ref, o_ref):
    i = pl.program_id(0)

    @pl.when(i < _HALF)
    def _item():
      o_ref[...] = cat_ref[...] + text_ref[...] / len_ref[...]

    @pl.when(i >= _HALF)
    def _user():
      o_ref[...] = lax.dot_general(
          x_ref[...], w_ref[...], (((1,), (1,)), ((), ())),
          preferred_element_type=jnp.float32) + b_ref[...]

  return pl.pallas_call(
      body,
      grid=(2 * _HALF,),
      in_specs=[
          pl.BlockSpec((_BLK, HID), lambda i: (jnp.minimum(i, _HALF - 1), 0)),
          pl.BlockSpec((_BLK, HID), lambda i: (jnp.minimum(i, _HALF - 1), 0)),
          pl.BlockSpec((_BLK, 1), lambda i: (jnp.minimum(i, _HALF - 1), 0)),
          pl.BlockSpec((_BLK, FEAT_D),
                       lambda i: (jnp.maximum(i - _HALF, 0), 0)),
          pl.BlockSpec((HID, FEAT_D), lambda i: (0, 0)),
          pl.BlockSpec((1, HID), lambda i: (0, 0)),
      ],
      out_specs=pl.BlockSpec((_BLK, HID), lambda i: (i, 0)),
      out_shape=jax.ShapeDtypeStruct((2 * B, HID), jnp.float32),
  )(text_sum, cat_rows, len_col, user_feat, w_feat, b_feat.reshape(1, HID))


def kernel(item_cat, item_text, text_len, user_feat, table_cat, table_text,
           W_feat, b_feat):
  cat_i32 = item_cat.astype(jnp.int32)
  cat_idx = cat_i32.reshape(NW * NCK, CHUNK)
  text_t = item_text.astype(jnp.int32).T.reshape(TXT_L, NW * NCK, CHUNK)
  len_col = text_len.astype(jnp.float32).reshape(B, 1)
  text_sum = _sc_text(text_t, table_text)
  cat_rows = _sc_cat(cat_idx, table_cat)
  return _tc_combine(text_sum, cat_rows, len_col, user_feat, W_feat, b_feat)

# --- scband reference (transcript-rebuilt; emitter-appended) ---
"""Pipeline reference for scband-linear-projector-38474317037990 (READ-ONLY COPY).

The authoritative reference and input builder live on the scoring server;
editing this copy changes nothing except your own understanding.
"""

import jax, jax.numpy as jnp
import numpy as np

B = 16384
HID = 64
CAT_V = 1000000
TXT_V = 100000
TXT_L = 50
FEAT_D = 128


def setup_inputs(seed: int = 0) -> dict:
    key = jax.random.key(seed)
    ks = jax.random.split(key, 8)
    item_cat = jax.random.randint(ks[0], (B,), 0, CAT_V)
    item_text = jax.random.randint(ks[1], (B, TXT_L), 0, TXT_V)
    # lengths must be >= 1 to avoid division by zero in bag-of-words mean
    text_len = jax.random.randint(ks[2], (B,), 1, TXT_L + 1)
    user_feat = jax.random.normal(ks[3], (B, FEAT_D), dtype=jnp.float32)
    # learned parameters
    table_cat = jax.random.normal(ks[4], (CAT_V, HID), dtype=jnp.float32) * 0.02
    table_text = jax.random.normal(ks[5], (TXT_V, HID), dtype=jnp.float32) * 0.02
    W_feat = jax.random.normal(ks[6], (HID, FEAT_D), dtype=jnp.float32) * 0.02
    b_feat = jnp.zeros((HID,), dtype=jnp.float32)
    return {
        "item_cat": item_cat,
        "item_text": item_text,
        "text_len": text_len,
        "user_feat": user_feat,
        "table_cat": table_cat,
        "table_text": table_text,
        "W_feat": W_feat,
        "b_feat": b_feat,
    }


def reference(item_cat, item_text, text_len, user_feat, table_cat, table_text, W_feat, b_feat):
    # item ntype: categorical-id embedding lookup (nn.Embedding path)
    proj_cat = jnp.take(table_cat, item_cat, axis=0)  # [B, HID]
    # item ntype: BagOfWords text feature: emb(x).sum(1) / length
    emb_text = jnp.take(table_text, item_text, axis=0)  # [B, L, HID]
    proj_text = emb_text.sum(axis=1) / text_len.astype(jnp.float32)[:, None]  # [B, HID]
    # stack projections per feature and sum over feature axis
    item_proj = jnp.stack([proj_cat, proj_text], axis=1).sum(axis=1)  # [B, HID]
    # user ntype: float feature -> Linear projection (nn.Linear path)
    user_proj = user_feat @ W_feat.T + b_feat  # [B, HID]
    # list of projections -> concatenated single array [2B, HID]
    return jnp.concatenate([item_proj, user_proj], axis=0)

if __name__ == "__main__":
    import jax
    _d = setup_inputs()
    print(jax.jit(kernel)(*tuple(_d.values())))

</pallas_src>

<mosaic_0001>
#map = affine_map<(d0, d1) -> (0, 0)>
module attributes {stable_mosaic.version = 14 : i64} {
  func.func @_sc_cat(%arg0: i32, %arg1: i32, %arg2: memref<128x128xi32, #tpu.memory_space<hbm>>, %arg3: memref<1000000x64xf32, #tpu.memory_space<hbm>>, %arg4: memref<16384x64xf32, #tpu.memory_space<hbm>>, %arg5: memref<4x128xi32, #tpu.memory_space<vmem>>, %arg6: memref<512x64xf32, #tpu.memory_space<vmem>>, %arg7: memref<!tpu.dma_semaphore, #tpu.memory_space<semaphore_mem>>, %arg8: memref<!tpu.dma_semaphore, #tpu.memory_space<semaphore_mem>>) attributes {dimension_semantics = [#tpu.dimension_semantics<core_parallel>, #tpu.dimension_semantics<subcore_parallel>], iteration_bounds = array<i64: 2, 16>, scalar_prefetch = 0 : i64, scratch_operands = 4 : i64, tpu.core_type = #tpu.core_type<sc_vector_subcore>, window_params = [{transform_indices = #map}, {transform_indices = #map}, {transform_indices = #map}]} {
    %mul3A = arith.constant 2 : i32
    %mul3A_0 = arith.muli %arg1, %mul3A : i32
    %add3A = arith.addi %mul3A_0, %arg0 : i32
    %mul3A_1 = arith.constant 512 : i32
    %mul3A_2 = arith.muli %add3A, %mul3A_1 : i32
    %mul3A_3 = arith.constant 4 : i32
    %mul3A_4 = arith.muli %add3A, %mul3A_3 : i32
    %dma_start3A = arith.constant 0 : i32
    %dma_start3A_5 = tpu.memref_slice %arg2[%mul3A_4, %dma_start3A] : memref<128x128xi32, #tpu.memory_space<hbm>> -> memref<4x128xi32, #tpu.memory_space<hbm>>
    %dma_start3A_6 = arith.constant 0 : i32
    %dma_start3A_7 = tpu.memref_slice %arg2[%mul3A_4, %dma_start3A_6] : memref<128x128xi32, #tpu.memory_space<hbm>> -> memref<4x128xi32, #tpu.memory_space<hbm>>
    tpu.enqueue_dma source(%dma_start3A_7 : memref<4x128xi32, #tpu.memory_space<hbm>>) target(%arg5 : memref<4x128xi32, #tpu.memory_space<vmem>>) target_semaphore(%arg7 : memref<!tpu.dma_semaphore, #tpu.memory_space<semaphore_mem>>)
    %dma_wait3A = arith.constant 0 : i32
    %dma_wait3A_8 = tpu.memref_slice %arg2[%mul3A_4, %dma_wait3A] : memref<128x128xi32, #tpu.memory_space<hbm>> -> memref<4x128xi32, #tpu.memory_space<hbm>>
    %dma_wait3A_9 = arith.constant 0 : i32
    %dma_wait3A_10 = tpu.memref_slice %arg2[%mul3A_4, %dma_wait3A_9] : memref<128x128xi32, #tpu.memory_space<hbm>> -> memref<4x128xi32, #tpu.memory_space<hbm>>
    tpu.wait_dma2 semaphore(%arg7 : memref<!tpu.dma_semaphore, #tpu.memory_space<semaphore_mem>>) src(%dma_wait3A_10 : memref<4x128xi32, #tpu.memory_space<hbm>>) dst(%arg5 : memref<4x128xi32, #tpu.memory_space<vmem>>)
    %dma_start3A_11 = arith.constant 0 : i32
    %dma_start3A_12 = arith.constant 0 : i32
    %dma_start3A_13 = arith.constant 0 : i32
    %dma_start3A_14 = tpu.memref_slice %arg6[%dma_start3A_12, %dma_start3A_13] : memref<512x64xf32, #tpu.memory_space<vmem>> -> memref<128x64xf32, #tpu.memory_space<vmem>>
    %dma_start3A_15 = arith.constant 0 : i32
    %dma_start3A_16 = tpu.memref_slice %arg5[%dma_start3A_11, %dma_start3A_15] : memref<4x128xi32, #tpu.memory_space<vmem>> -> memref<1x128xi32, #tpu.memory_space<vmem>>
    %dma_start3A_17 = tpu.memref_squeeze %dma_start3A_16 : memref<1x128xi32, #tpu.memory_space<vmem>> -> memref<128xi32, #tpu.memory_space<vmem>>
    %dma_start3A_18 = arith.constant 0 : i32
    %dma_start3A_19 = arith.constant 0 : i32
    %dma_start3A_20 = tpu.memref_slice %arg3[%dma_start3A_18, %dma_start3A_19] : memref<1000000x64xf32, #tpu.memory_space<hbm>> -> memref<1000000x64xf32, #tpu.memory_space<hbm>>
    tpu.enqueue_indirect_dma source(%dma_start3A_20 : memref<1000000x64xf32, #tpu.memory_space<hbm>>) target(%dma_start3A_14 : memref<128x64xf32, #tpu.memory_space<vmem>>) offsets(%dma_start3A_17 : memref<128xi32, #tpu.memory_space<vmem>>) semaphore(%arg8 : memref<!tpu.dma_semaphore, #tpu.memory_space<semaphore_mem>>)
    %dma_start3A_21 = arith.constant 1 : i32
    %dma_start3A_22 = arith.constant 128 : i32
    %dma_start3A_23 = arith.constant 0 : i32
    %dma_start3A_24 = tpu.memref_slice %arg6[%dma_start3A_22, %dma_start3A_23] : memref<512x64xf32, #tpu.memory_space<vmem>> -> memref<128x64xf32, #tpu.memory_space<vmem>>
    %dma_start3A_25 = arith.constant 0 : i32
    %dma_start3A_26 = tpu.memref_slice %arg5[%dma_start3A_21, %dma_start3A_25] : memref<4x128xi32, #tpu.memory_space<vmem>> -> memref<1x128xi32, #tpu.memory_space<vmem>>
    %dma_start3A_27 = tpu.memref_squeeze %dma_start3A_26 : memref<1x128xi32, #tpu.memory_space<vmem>> -> memref<128xi32, #tpu.memory_space<vmem>>
    %dma_start3A_28 = arith.constant 0 : i32
    %dma_start3A_29 = arith.constant 0 : i32
    %dma_start3A_30 = tpu.memref_slice %arg3[%dma_start3A_28, %dma_start3A_29] : memref<1000000x64xf32, #tpu.memory_space<hbm>> -> memref<1000000x64xf32, #tpu.memory_space<hbm>>
    tpu.enqueue_indirect_dma source(%dma_start3A_30 : memref<1000000x64xf32, #tpu.memory_space<hbm>>) target(%dma_start3A_24 : memref<128x64xf32, #tpu.memory_space<vmem>>) offsets(%dma_start3A_27 : memref<128xi32, #tpu.memory_space<vmem>>) semaphore(%arg8 : memref<!tpu.dma_semaphore, #tpu.memory_space<semaphore_mem>>)
    %dma_start3A_31 = arith.constant 2 : i32
    %dma_start3A_32 = arith.constant 256 : i32
    %dma_start3A_33 = arith.constant 0 : i32
    %dma_start3A_34 = tpu.memref_slice %arg6[%dma_start3A_32, %dma_start3A_33] : memref<512x64xf32, #tpu.memory_space<vmem>> -> memref<128x64xf32, #tpu.memory_space<vmem>>
    %dma_start3A_35 = arith.constant 0 : i32
    %dma_start3A_36 = tpu.memref_slice %arg5[%dma_start3A_31, %dma_start3A_35] : memref<4x128xi32, #tpu.memory_space<vmem>> -> memref<1x128xi32, #tpu.memory_space<vmem>>
    %dma_start3A_37 = tpu.memref_squeeze %dma_start3A_36 : memref<1x128xi32, #tpu.memory_space<vmem>> -> memref<128xi32, #tpu.memory_space<vmem>>
    %dma_start3A_38 = arith.constant 0 : i32
    %dma_start3A_39 = arith.constant 0 : i32
    %dma_start3A_40 = tpu.memref_slice %arg3[%dma_start3A_38, %dma_start3A_39] : memref<1000000x64xf32, #tpu.memory_space<hbm>> -> memref<1000000x64xf32, #tpu.memory_space<hbm>>
    tpu.enqueue_indirect_dma source(%dma_start3A_40 : memref<1000000x64xf32, #tpu.memory_space<hbm>>) target(%dma_start3A_34 : memref<128x64xf32, #tpu.memory_space<vmem>>) offsets(%dma_start3A_37 : memref<128xi32, #tpu.memory_space<vmem>>) semaphore(%arg8 : memref<!tpu.dma_semaphore, #tpu.memory_space<semaphore_mem>>)
    %dma_start3A_41 = arith.constant 3 : i32
    %dma_start3A_42 = arith.constant 384 : i32
    %dma_start3A_43 = arith.constant 0 : i32
    %dma_start3A_44 = tpu.memref_slice %arg6[%dma_start3A_42, %dma_start3A_43] : memref<512x64xf32, #tpu.memory_space<vmem>> -> memref<128x64xf32, #tpu.memory_space<vmem>>
    %dma_start3A_45 = arith.constant 0 : i32
    %dma_start3A_46 = tpu.memref_slice %arg5[%dma_start3A_41, %dma_start3A_45] : memref<4x128xi32, #tpu.memory_space<vmem>> -> memref<1x128xi32, #tpu.memory_space<vmem>>
    %dma_start3A_47 = tpu.memref_squeeze %dma_start3A_46 : memref<1x128xi32, #tpu.memory_space<vmem>> -> memref<128xi32, #tpu.memory_space<vmem>>
    %dma_start3A_48 = arith.constant 0 : i32
    %dma_start3A_49 = arith.constant 0 : i32
    %dma_start3A_50 = tpu.memref_slice %arg3[%dma_start3A_48, %dma_start3A_49] : memref<1000000x64xf32, #tpu.memory_space<hbm>> -> memref<1000000x64xf32, #tpu.memory_space<hbm>>
    tpu.enqueue_indirect_dma source(%dma_start3A_50 : memref<1000000x64xf32, #tpu.memory_space<hbm>>) target(%dma_start3A_44 : memref<128x64xf32, #tpu.memory_space<vmem>>) offsets(%dma_start3A_47 : memref<128xi32, #tpu.memory_space<vmem>>) semaphore(%arg8 : memref<!tpu.dma_semaphore, #tpu.memory_space<semaphore_mem>>)
    %dma_wait3A_51 = arith.constant 0 : i32
    %dma_wait3A_52 = arith.constant 0 : i32
    %dma_wait3A_53 = arith.constant 0 : i32
    %dma_wait3A_54 = tpu.memref_slice %arg6[%dma_wait3A_52, %dma_wait3A_53] : memref<512x64xf32, #tpu.memory_space<vmem>> -> memref<128x64xf32, #tpu.memory_space<vmem>>
    %dma_wait3A_55 = arith.constant 0 : i32
    %dma_wait3A_56 = tpu.memref_slice %arg5[%dma_wait3A_51, %dma_wait3A_55] : memref<4x128xi32, #tpu.memory_space<vmem>> -> memref<1x128xi32, #tpu.memory_space<vmem>>
    %dma_wait3A_57 = tpu.memref_squeeze %dma_wait3A_56 : memref<1x128xi32, #tpu.memory_space<vmem>> -> memref<128xi32, #tpu.memory_space<vmem>>
    %dma_wait3A_58 = arith.constant 0 : i32
    %dma_wait3A_59 = arith.constant 0 : i32
    %dma_wait3A_60 = tpu.memref_slice %arg3[%dma_wait3A_58, %dma_wait3A_59] : memref<1000000x64xf32, #tpu.memory_space<hbm>> -> memref<1000000x64xf32, #tpu.memory_space<hbm>>
    tpu.wait_indirect_dma semaphore(%arg8 : memref<!tpu.dma_semaphore, #tpu.memory_space<semaphore_mem>>) src(%dma_wait3A_60 : memref<1000000x64xf32, #tpu.memory_space<hbm>>) dst(%dma_wait3A_54 : memref<128x64xf32, #tpu.memory_space<vmem>>)
    %dma_wait3A_61 = arith.constant 1 : i32
    %dma_wait3A_62 = arith.constant 128 : i32
    %dma_wait3A_63 = arith.constant 0 : i32
    %dma_wait3A_64 = tpu.memref_slice %arg6[%dma_wait3A_62, %dma_wait3A_63] : memref<512x64xf32, #tpu.memory_space<vmem>> -> memref<128x64xf32, #tpu.memory_space<vmem>>
    %dma_wait3A_65 = arith.constant 0 : i32
    %dma_wait3A_66 = tpu.memref_slice %arg5[%dma_wait3A_61, %dma_wait3A_65] : memref<4x128xi32, #tpu.memory_space<vmem>> -> memref<1x128xi32, #tpu.memory_space<vmem>>
    %dma_wait3A_67 = tpu.memref_squeeze %dma_wait3A_66 : memref<1x128xi32, #tpu.memory_space<vmem>> -> memref<128xi32, #tpu.memory_space<vmem>>
    %dma_wait3A_68 = arith.constant 0 : i32
    %dma_wait3A_69 = arith.constant 0 : i32
    %dma_wait3A_70 = tpu.memref_slice %arg3[%dma_wait3A_68, %dma_wait3A_69] : memref<1000000x64xf32, #tpu.memory_space<hbm>> -> memref<1000000x64xf32, #tpu.memory_space<hbm>>
    tpu.wait_indirect_dma semaphore(%arg8 : memref<!tpu.dma_semaphore, #tpu.memory_space<semaphore_mem>>) src(%dma_wait3A_70 : memref<1000000x64xf32, #tpu.memory_space<hbm>>) dst(%dma_wait3A_64 : memref<128x64xf32, #tpu.memory_space<vmem>>)
    %dma_wait3A_71 = arith.constant 2 : i32
    %dma_wait3A_72 = arith.constant 256 : i32
    %dma_wait3A_73 = arith.constant 0 : i32
    %dma_wait3A_74 = tpu.memref_slice %arg6[%dma_wait3A_72, %dma_wait3A_73] : memref<512x64xf32, #tpu.memory_space<vmem>> -> memref<128x64xf32, #tpu.memory_space<vmem>>
    %dma_wait3A_75 = arith.constant 0 : i32
    %dma_wait3A_76 = tpu.memref_slice %arg5[%dma_wait3A_71, %dma_wait3A_75] : memref<4x128xi32, #tpu.memory_space<vmem>> -> memref<1x128xi32, #tpu.memory_space<vmem>>
    %dma_wait3A_77 = tpu.memref_squeeze %dma_wait3A_76 : memref<1x128xi32, #tpu.memory_space<vmem>> -> memref<128xi32, #tpu.memory_space<vmem>>
    %dma_wait3A_78 = arith.constant 0 : i32
    %dma_wait3A_79 = arith.constant 0 : i32
    %dma_wait3A_80 = tpu.memref_slice %arg3[%dma_wait3A_78, %dma_wait3A_79] : memref<1000000x64xf32, #tpu.memory_space<hbm>> -> memref<1000000x64xf32, #tpu.memory_space<hbm>>
    tpu.wait_indirect_dma semaphore(%arg8 : memref<!tpu.dma_semaphore, #tpu.memory_space<semaphore_mem>>) src(%dma_wait3A_80 : memref<1000000x64xf32, #tpu.memory_space<hbm>>) dst(%dma_wait3A_74 : memref<128x64xf32, #tpu.memory_space<vmem>>)
    %dma_wait3A_81 = arith.constant 3 : i32
    %dma_wait3A_82 = arith.constant 384 : i32
    %dma_wait3A_83 = arith.constant 0 : i32
    %dma_wait3A_84 = tpu.memref_slice %arg6[%dma_wait3A_82, %dma_wait3A_83] : memref<512x64xf32, #tpu.memory_space<vmem>> -> memref<128x64xf32, #tpu.memory_space<vmem>>
    %dma_wait3A_85 = arith.constant 0 : i32
    %dma_wait3A_86 = tpu.memref_slice %arg5[%dma_wait3A_81, %dma_wait3A_85] : memref<4x128xi32, #tpu.memory_space<vmem>> -> memref<1x128xi32, #tpu.memory_space<vmem>>
    %dma_wait3A_87 = tpu.memref_squeeze %dma_wait3A_86 : memref<1x128xi32, #tpu.memory_space<vmem>> -> memref<128xi32, #tpu.memory_space<vmem>>
    %dma_wait3A_88 = arith.constant 0 : i32
    %dma_wait3A_89 = arith.constant 0 : i32
    %dma_wait3A_90 = tpu.memref_slice %arg3[%dma_wait3A_88, %dma_wait3A_89] : memref<1000000x64xf32, #tpu.memory_space<hbm>> -> memref<1000000x64xf32, #tpu.memory_space<hbm>>
    tpu.wait_indirect_dma semaphore(%arg8 : memref<!tpu.dma_semaphore, #tpu.memory_space<semaphore_mem>>) src(%dma_wait3A_90 : memref<1000000x64xf32, #tpu.memory_space<hbm>>) dst(%dma_wait3A_84 : memref<128x64xf32, #tpu.memory_space<vmem>>)
    "tpu.region"() ({
      %run_scoped3A = tpu.sem_alloc : memref<!tpu.dma_semaphore, #tpu.memory_space<semaphore_mem>>
      %dma_start3A_91 = arith.constant 0 : i32
      %dma_start3A_92 = tpu.memref_slice %arg4[%mul3A_2, %dma_start3A_91] : memref<16384x64xf32, #tpu.memory_space<hbm>> -> memref<512x64xf32, #tpu.memory_space<hbm>>
      %dma_start3A_93 = arith.constant 0 : i32
      %dma_start3A_94 = tpu.memref_slice %arg4[%mul3A_2, %dma_start3A_93] : memref<16384x64xf32, #tpu.memory_space<hbm>> -> memref<512x64xf32, #tpu.memory_space<hbm>>
      tpu.enqueue_dma source(%arg6 : memref<512x64xf32, #tpu.memory_space<vmem>>) target(%dma_start3A_94 : memref<512x64xf32, #tpu.memory_space<hbm>>) target_semaphore(%run_scoped3A : memref<!tpu.dma_semaphore, #tpu.memory_space<semaphore_mem>>)
      %dma_wait3A_95 = arith.constant 0 : i32
      %dma_wait3A_96 = tpu.memref_slice %arg4[%mul3A_2, %dma_wait3A_95] : memref<16384x64xf32, #tpu.memory_space<hbm>> -> memref<512x64xf32, #tpu.memory_space<hbm>>
      %dma_wait3A_97 = arith.constant 0 : i32
      %dma_wait3A_98 = tpu.memref_slice %arg4[%mul3A_2, %dma_wait3A_97] : memref<16384x64xf32, #tpu.memory_space<hbm>> -> memref<512x64xf32, #tpu.memory_space<hbm>>
      tpu.wait_dma2 semaphore(%run_scoped3A : memref<!tpu.dma_semaphore, #tpu.memory_space<semaphore_mem>>) src(%arg6 : memref<512x64xf32, #tpu.memory_space<vmem>>) dst(%dma_wait3A_98 : memref<512x64xf32, #tpu.memory_space<hbm>>)
      tpu.yield
    }) : () -> ()
    return
  }
}

#map = affine_map<(d0, d1) -> (0, 0, 0)>
#map1 = affine_map<(d0, d1) -> (0, 0)>
module attributes {stable_mosaic.version = 14 : i64} {
  func.func @_sc_text(%arg0: i32, %arg1: i32, %arg2: memref<50x128x128xi32, #tpu.memory_space<hbm>>, %arg3: memref<100000x64xf32, #tpu.memory_space<hbm>>, %arg4: memref<16384x64xf32, #tpu.memory_space<hbm>>, %arg5: memref<50x4x128xi32, #tpu.memory_space<vmem>>, %arg6: memref<512x64xf32, #tpu.memory_space<vmem>>, %arg7: memref<!tpu.dma_semaphore, #tpu.memory_space<semaphore_mem>>, %arg8: memref<!tpu.dma_semaphore, #tpu.memory_space<semaphore_mem>>) attributes {dimension_semantics = [#tpu.dimension_semantics<core_parallel>, #tpu.dimension_semantics<subcore_parallel>], iteration_bounds = array<i64: 2, 16>, scalar_prefetch = 0 : i64, scratch_operands = 4 : i64, tpu.core_type = #tpu.core_type<sc_vector_subcore>, window_params = [{transform_indices = #map}, {transform_indices = #map1}, {transform_indices = #map1}]} {
    %mul3A = arith.constant 2 : i32
    %mul3A_0 = arith.muli %arg1, %mul3A : i32
    %add3A = arith.addi %mul3A_0, %arg0 : i32
    %mul3A_1 = arith.constant 512 : i32
    %mul3A_2 = arith.muli %add3A, %mul3A_1 : i32
    %mul3A_3 = arith.constant 4 : i32
    %mul3A_4 = arith.muli %add3A, %mul3A_3 : i32
    %dma_start3A = arith.constant 0 : i32
    %dma_start3A_5 = arith.constant 0 : i32
    %dma_start3A_6 = tpu.memref_slice %arg2[%dma_start3A, %mul3A_4, %dma_start3A_5] : memref<50x128x128xi32, #tpu.memory_space<hbm>> -> memref<50x4x128xi32, #tpu.memory_space<hbm>>
    %dma_start3A_7 = arith.constant 0 : i32
    %dma_start3A_8 = arith.constant 0 : i32
    %dma_start3A_9 = tpu.memref_slice %arg2[%dma_start3A_7, %mul3A_4, %dma_start3A_8] : memref<50x128x128xi32, #tpu.memory_space<hbm>> -> memref<50x4x128xi32, #tpu.memory_space<hbm>>
    tpu.enqueue_dma source(%dma_start3A_9 : memref<50x4x128xi32, #tpu.memory_space<hbm>>) target(%arg5 : memref<50x4x128xi32, #tpu.memory_space<vmem>>) target_semaphore(%arg7 : memref<!tpu.dma_semaphore, #tpu.memory_space<semaphore_mem>>)
    %dma_wait3A = arith.constant 0 : i32
    %dma_wait3A_10 = arith.constant 0 : i32
    %dma_wait3A_11 = tpu.memref_slice %arg2[%dma_wait3A, %mul3A_4, %dma_wait3A_10] : memref<50x128x128xi32, #tpu.memory_space<hbm>> -> memref<50x4x128xi32, #tpu.memory_space<hbm>>
    %dma_wait3A_12 = arith.constant 0 : i32
    %dma_wait3A_13 = arith.constant 0 : i32
    %dma_wait3A_14 = tpu.memref_slice %arg2[%dma_wait3A_12, %mul3A_4, %dma_wait3A_13] : memref<50x128x128xi32, #tpu.memory_space<hbm>> -> memref<50x4x128xi32, #tpu.memory_space<hbm>>
    tpu.wait_dma2 semaphore(%arg7 : memref<!tpu.dma_semaphore, #tpu.memory_space<semaphore_mem>>) src(%dma_wait3A_14 : memref<50x4x128xi32, #tpu.memory_space<hbm>>) dst(%arg5 : memref<50x4x128xi32, #tpu.memory_space<vmem>>)
    %dma_start3A_15 = arith.constant 0 : i32
    %dma_start3A_16 = arith.constant 0 : i32
    %dma_start3A_17 = arith.constant 0 : i32
    %dma_start3A_18 = arith.constant 0 : i32
    %dma_start3A_19 = tpu.memref_slice %arg6[%dma_start3A_17, %dma_start3A_18] : memref<512x64xf32, #tpu.memory_space<vmem>> -> memref<128x64xf32, #tpu.memory_space<vmem>>
    %dma_start3A_20 = arith.constant 0 : i32
    %dma_start3A_21 = tpu.memref_slice %arg5[%dma_start3A_15, %dma_start3A_16, %dma_start3A_20] : memref<50x4x128xi32, #tpu.memory_space<vmem>> -> memref<1x1x128xi32, #tpu.memory_space<vmem>>
    %dma_start3A_22 = tpu.memref_squeeze %dma_start3A_21 : memref<1x1x128xi32, #tpu.memory_space<vmem>> -> memref<128xi32, #tpu.memory_space<vmem>>
    %dma_start3A_23 = arith.constant 0 : i32
    %dma_start3A_24 = arith.constant 0 : i32
    %dma_start3A_25 = tpu.memref_slice %arg3[%dma_start3A_23, %dma_start3A_24] : memref<100000x64xf32, #tpu.memory_space<hbm>> -> memref<100000x64xf32, #tpu.memory_space<hbm>>
    tpu.enqueue_indirect_dma source(%dma_start3A_25 : memref<100000x64xf32, #tpu.memory_space<hbm>>) target(%dma_start3A_19 : memref<128x64xf32, #tpu.memory_space<vmem>>) offsets(%dma_start3A_22 : memref<128xi32, #tpu.memory_space<vmem>>) semaphore(%arg8 : memref<!tpu.dma_semaphore, #tpu.memory_space<semaphore_mem>>)
    %dma_start3A_26 = arith.constant 0 : i32
    %dma_start3A_27 = arith.constant 1 : i32
    %dma_start3A_28 = arith.constant 128 : i32
    %dma_start3A_29 = arith.constant 0 : i32
    %dma_start3A_30 = tpu.memref_slice %arg6[%dma_start3A_28, %dma_start3A_29] : memref<512x64xf32, #tpu.memory_space<vmem>> -> memref<128x64xf32, #tpu.memory_space<vmem>>
    %dma_start3A_31 = arith.constant 0 : i32
    %dma_start3A_32 = tpu.memref_slice %arg5[%dma_start3A_26, %dma_start3A_27, %dma_start3A_31] : memref<50x4x128xi32, #tpu.memory_space<vmem>> -> memref<1x1x128xi32, #tpu.memory_space<vmem>>
    %dma_start3A_33 = tpu.memref_squeeze %dma_start3A_32 : memref<1x1x128xi32, #tpu.memory_space<vmem>> -> memref<128xi32, #tpu.memory_space<vmem>>
    %dma_start3A_34 = arith.constant 0 : i32
    %dma_start3A_35 = arith.constant 0 : i32
    %dma_start3A_36 = tpu.memref_slice %arg3[%dma_start3A_34, %dma_start3A_35] : memref<100000x64xf32, #tpu.memory_space<hbm>> -> memref<100000x64xf32, #tpu.memory_space<hbm>>
    tpu.enqueue_indirect_dma source(%dma_start3A_36 : memref<100000x64xf32, #tpu.memory_space<hbm>>) target(%dma_start3A_30 : memref<128x64xf32, #tpu.memory_space<vmem>>) offsets(%dma_start3A_33 : memref<128xi32, #tpu.memory_space<vmem>>) semaphore(%arg8 : memref<!tpu.dma_semaphore, #tpu.memory_space<semaphore_mem>>)
    %dma_start3A_37 = arith.constant 0 : i32
    %dma_start3A_38 = arith.constant 2 : i32
    %dma_start3A_39 = arith.constant 256 : i32
    %dma_start3A_40 = arith.constant 0 : i32
    %dma_start3A_41 = tpu.memref_slice %arg6[%dma_start3A_39, %dma_start3A_40] : memref<512x64xf32, #tpu.memory_space<vmem>> -> memref<128x64xf32, #tpu.memory_space<vmem>>
    %dma_start3A_42 = arith.constant 0 : i32
    %dma_start3A_43 = tpu.memref_slice %arg5[%dma_start3A_37, %dma_start3A_38, %dma_start3A_42] : memref<50x4x128xi32, #tpu.memory_space<vmem>> -> memref<1x1x128xi32, #tpu.memory_space<vmem>>
    %dma_start3A_44 = tpu.memref_squeeze %dma_start3A_43 : memref<1x1x128xi32, #tpu.memory_space<vmem>> -> memref<128xi32, #tpu.memory_space<vmem>>
    %dma_start3A_45 = arith.constant 0 : i32
    %dma_start3A_46 = arith.constant 0 : i32
    %dma_start3A_47 = tpu.memref_slice %arg3[%dma_start3A_45, %dma_start3A_46] : memref<100000x64xf32, #tpu.memory_space<hbm>> -> memref<100000x64xf32, #tpu.memory_space<hbm>>
    tpu.enqueue_indirect_dma source(%dma_start3A_47 : memref<100000x64xf32, #tpu.memory_space<hbm>>) target(%dma_start3A_41 : memref<128x64xf32, #tpu.memory_space<vmem>>) offsets(%dma_start3A_44 : memref<128xi32, #tpu.memory_space<vmem>>) semaphore(%arg8 : memref<!tpu.dma_semaphore, #tpu.memory_space<semaphore_mem>>)
    %dma_start3A_48 = arith.constant 0 : i32
    %dma_start3A_49 = arith.constant 3 : i32
    %dma_start3A_50 = arith.constant 384 : i32
    %dma_start3A_51 = arith.constant 0 : i32
    %dma_start3A_52 = tpu.memref_slice %arg6[%dma_start3A_50, %dma_start3A_51] : memref<512x64xf32, #tpu.memory_space<vmem>> -> memref<128x64xf32, #tpu.memory_space<vmem>>
    %dma_start3A_53 = arith.constant 0 : i32
    %dma_start3A_54 = tpu.memref_slice %arg5[%dma_start3A_48, %dma_start3A_49, %dma_start3A_53] : memref<50x4x128xi32, #tpu.memory_space<vmem>> -> memref<1x1x128xi32, #tpu.memory_space<vmem>>
    %dma_start3A_55 = tpu.memref_squeeze %dma_start3A_54 : memref<1x1x128xi32, #tpu.memory_space<vmem>> -> memref<128xi32, #tpu.memory_space<vmem>>
    %dma_start3A_56 = arith.constant 0 : i32
    %dma_start3A_57 = arith.constant 0 : i32
    %dma_start3A_58 = tpu.memref_slice %arg3[%dma_start3A_56, %dma_start3A_57] : memref<100000x64xf32, #tpu.memory_space<hbm>> -> memref<100000x64xf32, #tpu.memory_space<hbm>>
    tpu.enqueue_indirect_dma source(%dma_start3A_58 : memref<100000x64xf32, #tpu.memory_space<hbm>>) target(%dma_start3A_52 : memref<128x64xf32, #tpu.memory_space<vmem>>) offsets(%dma_start3A_55 : memref<128xi32, #tpu.memory_space<vmem>>) semaphore(%arg8 : memref<!tpu.dma_semaphore, #tpu.memory_space<semaphore_mem>>)
    %dma_wait3A_59 = arith.constant 0 : i32
    %dma_wait3A_60 = arith.constant 0 : i32
    %dma_wait3A_61 = arith.constant 0 : i32
    %dma_wait3A_62 = arith.constant 0 : i32
    %dma_wait3A_63 = tpu.memref_slice %arg6[%dma_wait3A_61, %dma_wait3A_62] : memref<512x64xf32, #tpu.memory_space<vmem>> -> memref<128x64xf32, #tpu.memory_space<vmem>>
    %dma_wait3A_64 = arith.constant 0 : i32
    %dma_wait3A_65 = tpu.memref_slice %arg5[%dma_wait3A_59, %dma_wait3A_60, %dma_wait3A_64] : memref<50x4x128xi32, #tpu.memory_space<vmem>> -> memref<1x1x128xi32, #tpu.memory_space<vmem>>
    %dma_wait3A_66 = tpu.memref_squeeze %dma_wait3A_65 : memref<1x1x128xi32, #tpu.memory_space<vmem>> -> memref<128xi32, #tpu.memory_space<vmem>>
    %dma_wait3A_67 = arith.constant 0 : i32
    %dma_wait3A_68 = arith.constant 0 : i32
    %dma_wait3A_69 = tpu.memref_slice %arg3[%dma_wait3A_67, %dma_wait3A_68] : memref<100000x64xf32, #tpu.memory_space<hbm>> -> memref<100000x64xf32, #tpu.memory_space<hbm>>
    tpu.wait_indirect_dma semaphore(%arg8 : memref<!tpu.dma_semaphore, #tpu.memory_space<semaphore_mem>>) src(%dma_wait3A_69 : memref<100000x64xf32, #tpu.memory_space<hbm>>) dst(%dma_wait3A_63 : memref<128x64xf32, #tpu.memory_space<vmem>>)
    %dma_wait3A_70 = arith.constant 0 : i32
    %dma_wait3A_71 = arith.constant 1 : i32
    %dma_wait3A_72 = arith.constant 128 : i32
    %dma_wait3A_73 = arith.constant 0 : i32
    %dma_wait3A_74 = tpu.memref_slice %arg6[%dma_wait3A_72, %dma_wait3A_73] : memref<512x64xf32, #tpu.memory_space<vmem>> -> memref<128x64xf32, #tpu.memory_space<vmem>>
    %dma_wait3A_75 = arith.constant 0 : i32
    %dma_wait3A_76 = tpu.memref_slice %arg5[%dma_wait3A_70, %dma_wait3A_71, %dma_wait3A_75] : memref<50x4x128xi32, #tpu.memory_space<vmem>> -> memref<1x1x128xi32, #tpu.memory_space<vmem>>
    %dma_wait3A_77 = tpu.memref_squeeze %dma_wait3A_76 : memref<1x1x128xi32, #tpu.memory_space<vmem>> -> memref<128xi32, #tpu.memory_space<vmem>>
    %dma_wait3A_78 = arith.constant 0 : i32
    %dma_wait3A_79 = arith.constant 0 : i32
    %dma_wait3A_80 = tpu.memref_slice %arg3[%dma_wait3A_78, %dma_wait3A_79] : memref<100000x64xf32, #tpu.memory_space<hbm>> -> memref<100000x64xf32, #tpu.memory_space<hbm>>
    tpu.wait_indirect_dma semaphore(%arg8 : memref<!tpu.dma_semaphore, #tpu.memory_space<semaphore_mem>>) src(%dma_wait3A_80 : memref<100000x64xf32, #tpu.memory_space<hbm>>) dst(%dma_wait3A_74 : memref<128x64xf32, #tpu.memory_space<vmem>>)
    %dma_wait3A_81 = arith.constant 0 : i32
    %dma_wait3A_82 = arith.constant 2 : i32
    %dma_wait3A_83 = arith.constant 256 : i32
    %dma_wait3A_84 = arith.constant 0 : i32
    %dma_wait3A_85 = tpu.memref_slice %arg6[%dma_wait3A_83, %dma_wait3A_84] : memref<512x64xf32, #tpu.memory_space<vmem>> -> memref<128x64xf32, #tpu.memory_space<vmem>>
    %dma_wait3A_86 = arith.constant 0 : i32
    %dma_wait3A_87 = tpu.memref_slice %arg5[%dma_wait3A_81, %dma_wait3A_82, %dma_wait3A_86] : memref<50x4x128xi32, #tpu.memory_space<vmem>> -> memref<1x1x128xi32, #tpu.memory_space<vmem>>
    %dma_wait3A_88 = tpu.memref_squeeze %dma_wait3A_87 : memref<1x1x128xi32, #tpu.memory_space<vmem>> -> memref<128xi32, #tpu.memory_space<vmem>>
    %dma_wait3A_89 = arith.constant 0 : i32
    %dma_wait3A_90 = arith.constant 0 : i32
    %dma_wait3A_91 = tpu.memref_slice %arg3[%dma_wait3A_89, %dma_wait3A_90] : memref<100000x64xf32, #tpu.memory_space<hbm>> -> memref<100000x64xf32, #tpu.memory_space<hbm>>
    tpu.wait_indirect_dma semaphore(%arg8 : memref<!tpu.dma_semaphore, #tpu.memory_space<semaphore_mem>>) src(%dma_wait3A_91 : memref<100000x64xf32, #tpu.memory_space<hbm>>) dst(%dma_wait3A_85 : memref<128x64xf32, #tpu.memory_space<vmem>>)
    %dma_wait3A_92 = arith.constant 0 : i32
    %dma_wait3A_93 = arith.constant 3 : i32
    %dma_wait3A_94 = arith.constant 384 : i32
    %dma_wait3A_95 = arith.constant 0 : i32
    %dma_wait3A_96 = tpu.memref_slice %arg6[%dma_wait3A_94, %dma_wait3A_95] : memref<512x64xf32, #tpu.memory_space<vmem>> -> memref<128x64xf32, #tpu.memory_space<vmem>>
    %dma_wait3A_97 = arith.constant 0 : i32
    %dma_wait3A_98 = tpu.memref_slice %arg5[%dma_wait3A_92, %dma_wait3A_93, %dma_wait3A_97] : memref<50x4x128xi32, #tpu.memory_space<vmem>> -> memref<1x1x128xi32, #tpu.memory_space<vmem>>
    %dma_wait3A_99 = tpu.memref_squeeze %dma_wait3A_98 : memref<1x1x128xi32, #tpu.memory_space<vmem>> -> memref<128xi32, #tpu.memory_space<vmem>>
    %dma_wait3A_100 = arith.constant 0 : i32
    %dma_wait3A_101 = arith.constant 0 : i32
    %dma_wait3A_102 = tpu.memref_slice %arg3[%dma_wait3A_100, %dma_wait3A_101] : memref<100000x64xf32, #tpu.memory_space<hbm>> -> memref<100000x64xf32, #tpu.memory_space<hbm>>
    tpu.wait_indirect_dma semaphore(%arg8 : memref<!tpu.dma_semaphore, #tpu.memory_space<semaphore_mem>>) src(%dma_wait3A_102 : memref<100000x64xf32, #tpu.memory_space<hbm>>) dst(%dma_wait3A_96 : memref<128x64xf32, #tpu.memory_space<vmem>>)
    %scan3A = arith.constant 0 : i32
    %scan3A_103 = arith.constant 1 : i32
    %scan3A_104 = arith.constant 49 : i32
    %scan3A_105 = arith.addi %scan3A_103, %scan3A_104 : i32
    %scan3A_106 = arith.constant 1 : i32
    scf.for %scan3A_108 = %scan3A_103 to %scan3A_105 step %scan3A_106  : i32 {
      %dma_start3A_109 = arith.constant 0 : i32
      %dma_start3A_110 = arith.constant 0 : i32
      %dma_start3A_111 = arith.constant 0 : i32
      %dma_start3A_112 = tpu.memref_slice %arg6[%dma_start3A_110, %dma_start3A_111] : memref<512x64xf32, #tpu.memory_space<vmem>> -> memref<128x64xf32, #tpu.memory_space<vmem>>
      %dma_start3A_113 = arith.constant 0 : i32
      %dma_start3A_114 = tpu.memref_slice %arg5[%scan3A_108, %dma_start3A_109, %dma_start3A_113] : memref<50x4x128xi32, #tpu.memory_space<vmem>> -> memref<1x1x128xi32, #tpu.memory_space<vmem>>
      %dma_start3A_115 = tpu.memref_squeeze %dma_start3A_114 : memref<1x1x128xi32, #tpu.memory_space<vmem>> -> memref<128xi32, #tpu.memory_space<vmem>>
      %dma_start3A_116 = arith.constant 0 : i32
      %dma_start3A_117 = arith.constant 0 : i32
      %dma_start3A_118 = tpu.memref_slice %arg3[%dma_start3A_116, %dma_start3A_117] : memref<100000x64xf32, #tpu.memory_space<hbm>> -> memref<100000x64xf32, #tpu.memory_space<hbm>>
      tpu.enqueue_indirect_dma source(%dma_start3A_118 : memref<100000x64xf32, #tpu.memory_space<hbm>>) target(%dma_start3A_112 : memref<128x64xf32, #tpu.memory_space<vmem>>) offsets(%dma_start3A_115 : memref<128xi32, #tpu.memory_space<vmem>>) semaphore(%arg8 : memref<!tpu.dma_semaphore, #tpu.memory_space<semaphore_mem>>) {add = true}
      %dma_start3A_119 = arith.constant 1 : i32
      %dma_start3A_120 = arith.constant 128 : i32
      %dma_start3A_121 = arith.constant 0 : i32
      %dma_start3A_122 = tpu.memref_slice %arg6[%dma_start3A_120, %dma_start3A_121] : memref<512x64xf32, #tpu.memory_space<vmem>> -> memref<128x64xf32, #tpu.memory_space<vmem>>
      %dma_start3A_123 = arith.constant 0 : i32
      %dma_start3A_124 = tpu.memref_slice %arg5[%scan3A_108, %dma_start3A_119, %dma_start3A_123] : memref<50x4x128xi32, #tpu.memory_space<vmem>> -> memref<1x1x128xi32, #tpu.memory_space<vmem>>
      %dma_start3A_125 = tpu.memref_squeeze %dma_start3A_124 : memref<1x1x128xi32, #tpu.memory_space<vmem>> -> memref<128xi32, #tpu.memory_space<vmem>>
      %dma_start3A_126 = arith.constant 0 : i32
      %dma_start3A_127 = arith.constant 0 : i32
      %dma_start3A_128 = tpu.memref_slice %arg3[%dma_start3A_126, %dma_start3A_127] : memref<100000x64xf32, #tpu.memory_space<hbm>> -> memref<100000x64xf32, #tpu.memory_space<hbm>>
      tpu.enqueue_indirect_dma source(%dma_start3A_128 : memref<100000x64xf32, #tpu.memory_space<hbm>>) target(%dma_start3A_122 : memref<128x64xf32, #tpu.memory_space<vmem>>) offsets(%dma_start3A_125 : memref<128xi32, #tpu.memory_space<vmem>>) semaphore(%arg8 : memref<!tpu.dma_semaphore, #tpu.memory_space<semaphore_mem>>) {add = true}
      %dma_start3A_129 = arith.constant 2 : i32
      %dma_start3A_130 = arith.constant 256 : i32
      %dma_start3A_131 = arith.constant 0 : i32
      %dma_start3A_132 = tpu.memref_slice %arg6[%dma_start3A_130, %dma_start3A_131] : memref<512x64xf32, #tpu.memory_space<vmem>> -> memref<128x64xf32, #tpu.memory_space<vmem>>
      %dma_start3A_133 = arith.constant 0 : i32
      %dma_start3A_134 = tpu.memref_slice %arg5[%scan3A_108, %dma_start3A_129, %dma_start3A_133] : memref<50x4x128xi32, #tpu.memory_space<vmem>> -> memref<1x1x128xi32, #tpu.memory_space<vmem>>
      %dma_start3A_135 = tpu.memref_squeeze %dma_start3A_134 : memref<1x1x128xi32, #tpu.memory_space<vmem>> -> memref<128xi32, #tpu.memory_space<vmem>>
      %dma_start3A_136 = arith.constant 0 : i32
      %dma_start3A_137 = arith.constant 0 : i32
      %dma_start3A_138 = tpu.memref_slice %arg3[%dma_start3A_136, %dma_start3A_137] : memref<100000x64xf32, #tpu.memory_space<hbm>> -> memref<100000x64xf32, #tpu.memory_space<hbm>>
      tpu.enqueue_indirect_dma source(%dma_start3A_138 : memref<100000x64xf32, #tpu.memory_space<hbm>>) target(%dma_start3A_132 : memref<128x64xf32, #tpu.memory_space<vmem>>) offsets(%dma_start3A_135 : memref<128xi32, #tpu.memory_space<vmem>>) semaphore(%arg8 : memref<!tpu.dma_semaphore, #tpu.memory_space<semaphore_mem>>) {add = true}
      %dma_start3A_139 = arith.constant 3 : i32
      %dma_start3A_140 = arith.constant 384 : i32
      %dma_start3A_141 = arith.constant 0 : i32
      %dma_start3A_142 = tpu.memref_slice %arg6[%dma_start3A_140, %dma_start3A_141] : memref<512x64xf32, #tpu.memory_space<vmem>> -> memref<128x64xf32, #tpu.memory_space<vmem>>
      %dma_start3A_143 = arith.constant 0 : i32
      %dma_start3A_144 = tpu.memref_slice %arg5[%scan3A_108, %dma_start3A_139, %dma_start3A_143] : memref<50x4x128xi32, #tpu.memory_space<vmem>> -> memref<1x1x128xi32, #tpu.memory_space<vmem>>
      %dma_start3A_145 = tpu.memref_squeeze %dma_start3A_144 : memref<1x1x128xi32, #tpu.memory_space<vmem>> -> memref<128xi32, #tpu.memory_space<vmem>>
      %dma_start3A_146 = arith.constant 0 : i32
      %dma_start3A_147 = arith.constant 0 : i32
      %dma_start3A_148 = tpu.memref_slice %arg3[%dma_start3A_146, %dma_start3A_147] : memref<100000x64xf32, #tpu.memory_space<hbm>> -> memref<100000x64xf32, #tpu.memory_space<hbm>>
      tpu.enqueue_indirect_dma source(%dma_start3A_148 : memref<100000x64xf32, #tpu.memory_space<hbm>>) target(%dma_start3A_142 : memref<128x64xf32, #tpu.memory_space<vmem>>) offsets(%dma_start3A_145 : memref<128xi32, #tpu.memory_space<vmem>>) semaphore(%arg8 : memref<!tpu.dma_semaphore, #tpu.memory_space<semaphore_mem>>) {add = true}
      %dma_wait3A_149 = arith.constant 0 : i32
      %dma_wait3A_150 = arith.constant 0 : i32
      %dma_wait3A_151 = arith.constant 0 : i32
      %dma_wait3A_152 = tpu.memref_slice %arg6[%dma_wait3A_150, %dma_wait3A_151] : memref<512x64xf32, #tpu.memory_space<vmem>> -> memref<128x64xf32, #tpu.memory_space<vmem>>
      %dma_wait3A_153 = arith.constant 0 : i32
      %dma_wait3A_154 = tpu.memref_slice %arg5[%scan3A_108, %dma_wait3A_149, %dma_wait3A_153] : memref<50x4x128xi32, #tpu.memory_space<vmem>> -> memref<1x1x128xi32, #tpu.memory_space<vmem>>
      %dma_wait3A_155 = tpu.memref_squeeze %dma_wait3A_154 : memref<1x1x128xi32, #tpu.memory_space<vmem>> -> memref<128xi32, #tpu.memory_space<vmem>>
      %dma_wait3A_156 = arith.constant 0 : i32
      %dma_wait3A_157 = arith.constant 0 : i32
      %dma_wait3A_158 = tpu.memref_slice %arg3[%dma_wait3A_156, %dma_wait3A_157] : memref<100000x64xf32, #tpu.memory_space<hbm>> -> memref<100000x64xf32, #tpu.memory_space<hbm>>
      tpu.wait_indirect_dma semaphore(%arg8 : memref<!tpu.dma_semaphore, #tpu.memory_space<semaphore_mem>>) src(%dma_wait3A_158 : memref<100000x64xf32, #tpu.memory_space<hbm>>) dst(%dma_wait3A_152 : memref<128x64xf32, #tpu.memory_space<vmem>>)
      %dma_wait3A_159 = arith.constant 1 : i32
      %dma_wait3A_160 = arith.constant 128 : i32
      %dma_wait3A_161 = arith.constant 0 : i32
      %dma_wait3A_162 = tpu.memref_slice %arg6[%dma_wait3A_160, %dma_wait3A_161] : memref<512x64xf32, #tpu.memory_space<vmem>> -> memref<128x64xf32, #tpu.memory_space<vmem>>
      %dma_wait3A_163 = arith.constant 0 : i32
      %dma_wait3A_164 = tpu.memref_slice %arg5[%scan3A_108, %dma_wait3A_159, %dma_wait3A_163] : memref<50x4x128xi32, #tpu.memory_space<vmem>> -> memref<1x1x128xi32, #tpu.memory_space<vmem>>
      %dma_wait3A_165 = tpu.memref_squeeze %dma_wait3A_164 : memref<1x1x128xi32, #tpu.memory_space<vmem>> -> memref<128xi32, #tpu.memory_space<vmem>>
      %dma_wait3A_166 = arith.constant 0 : i32
      %dma_wait3A_167 = arith.constant 0 : i32
      %dma_wait3A_168 = tpu.memref_slice %arg3[%dma_wait3A_166, %dma_wait3A_167] : memref<100000x64xf32, #tpu.memory_space<hbm>> -> memref<100000x64xf32, #tpu.memory_space<hbm>>
      tpu.wait_indirect_dma semaphore(%arg8 : memref<!tpu.dma_semaphore, #tpu.memory_space<semaphore_mem>>) src(%dma_wait3A_168 : memref<100000x64xf32, #tpu.memory_space<hbm>>) dst(%dma_wait3A_162 : memref<128x64xf32, #tpu.memory_space<vmem>>)
      %dma_wait3A_169 = arith.constant 2 : i32
      %dma_wait3A_170 = arith.constant 256 : i32
      %dma_wait3A_171 = arith.constant 0 : i32
      %dma_wait3A_172 = tpu.memref_slice %arg6[%dma_wait3A_170, %dma_wait3A_171] : memref<512x64xf32, #tpu.memory_space<vmem>> -> memref<128x64xf32, #tpu.memory_space<vmem>>
      %dma_wait3A_173 = arith.constant 0 : i32
      %dma_wait3A_174 = tpu.memref_slice %arg5[%scan3A_108, %dma_wait3A_169, %dma_wait3A_173] : memref<50x4x128xi32, #tpu.memory_space<vmem>> -> memref<1x1x128xi32, #tpu.memory_space<vmem>>
      %dma_wait3A_175 = tpu.memref_squeeze %dma_wait3A_174 : memref<1x1x128xi32, #tpu.memory_space<vmem>> -> memref<128xi32, #tpu.memory_space<vmem>>
      %dma_wait3A_176 = arith.constant 0 : i32
      %dma_wait3A_177 = arith.constant 0 : i32
      %dma_wait3A_178 = tpu.memref_slice %arg3[%dma_wait3A_176, %dma_wait3A_177] : memref<100000x64xf32, #tpu.memory_space<hbm>> -> memref<100000x64xf32, #tpu.memory_space<hbm>>
      tpu.wait_indirect_dma semaphore(%arg8 : memref<!tpu.dma_semaphore, #tpu.memory_space<semaphore_mem>>) src(%dma_wait3A_178 : memref<100000x64xf32, #tpu.memory_space<hbm>>) dst(%dma_wait3A_172 : memref<128x64xf32, #tpu.memory_space<vmem>>)
      %dma_wait3A_179 = arith.constant 3 : i32
      %dma_wait3A_180 = arith.constant 384 : i32
      %dma_wait3A_181 = arith.constant 0 : i32
      %dma_wait3A_182 = tpu.memref_slice %arg6[%dma_wait3A_180, %dma_wait3A_181] : memref<512x64xf32, #tpu.memory_space<vmem>> -> memref<128x64xf32, #tpu.memory_space<vmem>>
      %dma_wait3A_183 = arith.constant 0 : i32
      %dma_wait3A_184 = tpu.memref_slice %arg5[%scan3A_108, %dma_wait3A_179, %dma_wait3A_183] : memref<50x4x128xi32, #tpu.memory_space<vmem>> -> memref<1x1x128xi32, #tpu.memory_space<vmem>>
      %dma_wait3A_185 = tpu.memref_squeeze %dma_wait3A_184 : memref<1x1x128xi32, #tpu.memory_space<vmem>> -> memref<128xi32, #tpu.memory_space<vmem>>
      %dma_wait3A_186 = arith.constant 0 : i32
      %dma_wait3A_187 = arith.constant 0 : i32
      %dma_wait3A_188 = tpu.memref_slice %arg3[%dma_wait3A_186, %dma_wait3A_187] : memref<100000x64xf32, #tpu.memory_space<hbm>> -> memref<100000x64xf32, #tpu.memory_space<hbm>>
      tpu.wait_indirect_dma semaphore(%arg8 : memref<!tpu.dma_semaphore, #tpu.memory_space<semaphore_mem>>) src(%dma_wait3A_188 : memref<100000x64xf32, #tpu.memory_space<hbm>>) dst(%dma_wait3A_182 : memref<128x64xf32, #tpu.memory_space<vmem>>)
    }
    %scan3A_107 = arith.constant 49 : i32
    "tpu.region"() ({
      %run_scoped3A = tpu.sem_alloc : memref<!tpu.dma_semaphore, #tpu.memory_space<semaphore_mem>>
      %dma_start3A_108 = arith.constant 0 : i32
      %dma_start3A_109 = tpu.memref_slice %arg4[%mul3A_2, %dma_start3A_108] : memref<16384x64xf32, #tpu.memory_space<hbm>> -> memref<512x64xf32, #tpu.memory_space<hbm>>
      %dma_start3A_110 = arith.constant 0 : i32
      %dma_start3A_111 = tpu.memref_slice %arg4[%mul3A_2, %dma_start3A_110] : memref<16384x64xf32, #tpu.memory_space<hbm>> -> memref<512x64xf32, #tpu.memory_space<hbm>>
      tpu.enqueue_dma source(%arg6 : memref<512x64xf32, #tpu.memory_space<vmem>>) target(%dma_start3A_111 : memref<512x64xf32, #tpu.memory_space<hbm>>) target_semaphore(%run_scoped3A : memref<!tpu.dma_semaphore, #tpu.memory_space<semaphore_mem>>)
      %dma_wait3A_112 = arith.constant 0 : i32
      %dma_wait3A_113 = tpu.memref_slice %arg4[%mul3A_2, %dma_wait3A_112] : memref<16384x64xf32, #tpu.memory_space<hbm>> -> memref<512x64xf32, #tpu.memory_space<hbm>>
      %dma_wait3A_114 = arith.constant 0 : i32
      %dma_wait3A_115 = tpu.memref_slice %arg4[%mul3A_2, %dma_wait3A_114] : memref<16384x64xf32, #tpu.memory_space<hbm>> -> memref<512x64xf32, #tpu.memory_space<hbm>>
      tpu.wait_dma2 semaphore(%run_scoped3A : memref<!tpu.dma_semaphore, #tpu.memory_space<semaphore_mem>>) src(%arg6 : memref<512x64xf32, #tpu.memory_space<vmem>>) dst(%dma_wait3A_115 : memref<512x64xf32, #tpu.memory_space<hbm>>)
      tpu.yield
    }) : () -> ()
    return
  }
}

module attributes {stable_mosaic.version = 14 : i64} {
  func.func @body(%arg0: i32, %arg1: memref<2048x64xf32, #tpu.memory_space<vmem>>, %arg2: memref<2048x64xf32, #tpu.memory_space<vmem>>, %arg3: memref<2048x1xf32, #tpu.memory_space<vmem>>, %arg4: memref<2048x128xf32, #tpu.memory_space<vmem>>, %arg5: memref<64x128xf32, #tpu.memory_space<vmem>>, %arg6: memref<1x64xf32, #tpu.memory_space<vmem>>, %arg7: memref<2048x64xf32, #tpu.memory_space<vmem>>) attributes {dimension_semantics = [#tpu.dimension_semantics<arbitrary>], iteration_bounds = array<i64: 16>, scalar_prefetch = 0 : i64, scratch_operands = 0 : i64, tpu.core_type = #tpu.core_type<tc>, window_params = [{transform_indices = @transform_0, window_bounds = array<i64: 2048, 64>}, {transform_indices = @transform_1, window_bounds = array<i64: 2048, 64>}, {transform_indices = @transform_2, window_bounds = array<i64: 2048, 1>}, {transform_indices = @transform_3, window_bounds = array<i64: 2048, 128>}, {pipeline_mode = #tpu.pipeline_mode<synchronous>, transform_indices = @transform_4, window_bounds = array<i64: 64, 128>}, {pipeline_mode = #tpu.pipeline_mode<synchronous>, transform_indices = @transform_5, window_bounds = array<i64: 1, 64>}, {transform_indices = @transform_6, window_bounds = array<i64: 2048, 64>}]} {
    %lt3A = arith.constant 8 : i32
    %lt3A_0 = arith.cmpi slt, %arg0, %lt3A : i32
    %convert_element_type3A = arith.extui %lt3A_0 : i1 to i32
    %cond3A = arith.constant 0 : i32
    %cond3A_1 = arith.cmpi ne, %convert_element_type3A, %cond3A : i32
    scf.if %cond3A_1 {
      %get3A = arith.constant 0 : index
      %get3A_6 = arith.constant 0 : index
      %get3A_7 = vector.load %arg2[%get3A, %get3A_6] : memref<2048x64xf32, #tpu.memory_space<vmem>>, vector<2048x64xf32>
      %get3A_8 = arith.constant 0 : index
      %get3A_9 = arith.constant 0 : index
      %get3A_10 = vector.load %arg1[%get3A_8, %get3A_9] : memref<2048x64xf32, #tpu.memory_space<vmem>>, vector<2048x64xf32>
      %get3A_11 = arith.constant 0 : index
      %get3A_12 = arith.constant 0 : index
      %get3A_13 = vector.load %arg3[%get3A_11, %get3A_12] : memref<2048x1xf32, #tpu.memory_space<vmem>>, vector<2048x1xf32>
      %div3A = vector.broadcast %get3A_13 : vector<2048x1xf32> to vector<2048x64xf32>
      %div3A_14 = arith.divf %get3A_10, %div3A : vector<2048x64xf32>
      %add3A = arith.addf %get3A_7, %div3A_14 : vector<2048x64xf32>
      %swap3A = arith.constant 0 : index
      %swap3A_15 = arith.constant 0 : index
      %swap3A_16 = vector.load %arg7[%swap3A, %swap3A_15] : memref<2048x64xf32, #tpu.memory_space<vmem>>, vector<2048x64xf32>
      tpu.vector_store %arg7[%swap3A, %swap3A_15], %add3A {strides = array<i32>} : memref<2048x64xf32, #tpu.memory_space<vmem>>, vector<2048x64xf32>,
    } else {
    }
    %ge3A = arith.constant 8 : i32
    %ge3A_2 = arith.cmpi sge, %arg0, %ge3A : i32
    %convert_element_type3A_3 = arith.extui %ge3A_2 : i1 to i32
    %cond3A_4 = arith.constant 0 : i32
    %cond3A_5 = arith.cmpi ne, %convert_element_type3A_3, %cond3A_4 : i32
    scf.if %cond3A_5 {
      %get3A = arith.constant 0 : index
      %get3A_6 = arith.constant 0 : index
      %get3A_7 = vector.load %arg4[%get3A, %get3A_6] : memref<2048x128xf32, #tpu.memory_space<vmem>>, vector<2048x128xf32>
      %get3A_8 = arith.constant 0 : index
      %get3A_9 = arith.constant 0 : index
      %get3A_10 = vector.load %arg5[%get3A_8, %get3A_9] : memref<64x128xf32, #tpu.memory_space<vmem>>, vector<64x128xf32>
      %dot_general3A = arith.constant dense<0.000000e+00> : vector<2048x64xf32>
      %dot_general3A_11 = tpu.matmul %get3A_7, %get3A_10, %dot_general3A {dimension_numbers = #tpu.dot_dimension_numbers<[1], [1], [0], [0], [0, 0, 1, 0], [], []>, transpose_lhs_hint = false} : vector<2048x128xf32>, vector<64x128xf32>, vector<2048x64xf32> -> vector<2048x64xf32>
      %get3A_12 = arith.constant 0 : index
      %get3A_13 = arith.constant 0 : index
      %get3A_14 = vector.load %arg6[%get3A_12, %get3A_13] : memref<1x64xf32, #tpu.memory_space<vmem>>, vector<1x64xf32>
      %add3A = vector.broadcast %get3A_14 : vector<1x64xf32> to vector<2048x64xf32>
      %add3A_15 = arith.addf %dot_general3A_11, %add3A : vector<2048x64xf32>
      %swap3A = arith.constant 0 : index
      %swap3A_16 = arith.constant 0 : index
      %swap3A_17 = vector.load %arg7[%swap3A, %swap3A_16] : memref<2048x64xf32, #tpu.memory_space<vmem>>, vector<2048x64xf32>
      tpu.vector_store %arg7[%swap3A, %swap3A_16], %add3A_15 {strides = array<i32>} : memref<2048x64xf32, #tpu.memory_space<vmem>>, vector<2048x64xf32>,
    } else {
    }
    return
  }
  func.func @transform_0(%arg0: i32) -> (i32, i32) {
    %min3A = arith.constant 7 : i32
    %min3A_0 = arith.minsi %arg0, %min3A : i32
    %c0_i32 = arith.constant 0 : i32
    %c0_i32_1 = arith.constant 0 : i32
    return %min3A_0, %c0_i32 : i32, i32
  }
  func.func @transform_1(%arg0: i32) -> (i32, i32) {
    %min3A = arith.constant 7 : i32
    %min3A_0 = arith.minsi %arg0, %min3A : i32
    %c0_i32 = arith.constant 0 : i32
    %c0_i32_1 = arith.constant 0 : i32
    return %min3A_0, %c0_i32 : i32, i32
  }
  func.func @transform_2(%arg0: i32) -> (i32, i32) {
    %min3A = arith.constant 7 : i32
    %min3A_0 = arith.minsi %arg0, %min3A : i32
    %c0_i32 = arith.constant 0 : i32
    %c0_i32_1 = arith.constant 0 : i32
    return %min3A_0, %c0_i32 : i32, i32
  }
  func.func @transform_3(%arg0: i32) -> (i32, i32) {
    %sub3A = arith.constant 8 : i32
    %sub3A_0 = arith.subi %arg0, %sub3A : i32
    %max3A = arith.constant 0 : i32
    %max3A_1 = arith.maxsi %sub3A_0, %max3A : i32
    %c0_i32 = arith.constant 0 : i32
    %c0_i32_2 = arith.constant 0 : i32
    return %max3A_1, %c0_i32 : i32, i32
  }
  func.func @transform_4(%arg0: i32) -> (i32, i32) {
    %c0_i32 = arith.constant 0 : i32
    %c0_i32_0 = arith.constant 0 : i32
    %c0_i32_1 = arith.constant 0 : i32
    return %c0_i32, %c0_i32_0 : i32, i32
  }
  func.func @transform_5(%arg0: i32) -> (i32, i32) {
    %c0_i32 = arith.constant 0 : i32
    %c0_i32_0 = arith.constant 0 : i32
    %c0_i32_1 = arith.constant 0 : i32
    return %c0_i32, %c0_i32_0 : i32, i32
  }
  func.func @transform_6(%arg0: i32) -> (i32, i32) {
    %c0_i32 = arith.constant 0 : i32
    %c0_i32_0 = arith.constant 0 : i32
    return %arg0, %c0_i32 : i32, i32
  }
}

</mosaic_0001>

<sc_bundles>
// kernel: kernel.5.cloned.1.call-start
scs
__scs_entry_jumppad:
0x0: {  	(pc) =	sbr.rel $0x88, $3  }
0x1: {  	(tag) =	ssettag $0x0;
	lr =	simm.s32 $0x1  }
0x2: {  	[smem:$0x3F99] =	sst lr;
	_ =	strace $0xD0000000  }
0x3: {  	_ = 	snop  }
0x4: {  	_ = 	snop  }
0x5: {  	_ = 	snop  }
0x6: {  	_ = 	snop  }
0x7: {  	_ = 	snop  }
__scs_overlays_trampoline_lowered:
0x8: {  	[smem:$0x3FA8] =	sst s0  }
0x9: {  	[smem:$0x3FA9] =	sst s1  }
0xa: {  	[smem:$0x3FAA] =	sst s2  }
0xb: {  	[smem:$0x3FAB] =	sst s3  }
0xc: {  	[smem:$0x3FAC] =	sst s4  }
0xd: {  	[smem:$0x3FAD] =	sst s5  }
0xe: {  	[smem:$0x3FAE] =	sst s6  }
0xf: {  	[smem:$0x3FAF] =	sst s7  }
0x10: {  	[smem:$0x3FB0] =	sst s8  }
0x11: {  	[smem:$0x3FB1] =	sst s9;
	s0 =	simm.s32 @!p0 $0x0  }
0x12: {  	s1 =	sld [smem:$0x3F97];
	s0 =	simm.s32 @p0 $0x1  }
0x13: {  	[smem:$0x3FB2] =	sst s0;
	s0 =	simm.s32 @!p1 $0x0  }
0x14: {  	s2 =	sld [smem:$0x3F96];
	s0 =	simm.s32 @p1 $0x1  }
0x15: {  	[smem:$0x3FB3] =	sst s0;
	s0 =	simm.s32 @!p2 $0x0  }
0x16: {  	s3 =	sld [smem:$0x3FDB];
	s0 =	simm.s32 @p2 $0x1  }
0x17: {  	s4 =	simm.s32 $0x1BF5;
	[smem:$0x3FB5] =	sst s0  }
0x18: {  	s0 =	sld [smem:$0x3F98];
	_ =	swait.ge [sflag:s4], $0x0  }
0x19: {  	s7 =	sld [smem:$0x3F99]  }
0x1a: {  	s8 =	sadd.s32 $0xFFFFE003, lr  }
0x1b: {  	s9 =	sadd.s32 $0xFFFFFEF7, lr;
	s5 =	simm.s32 $0xFFFFFFFF;
	p2 =	slt.u32 s8, $0xFFFFF086  }
0x1c: {  	p1 =	slt.u32 s9, $0xF7A;
	s5 =	simm.s32 @!p2 $0x0  }
0x1d: {  	s5 =	simm.s32 @p1 $0x1;
	p0 =	seq.s32 s7, s2  }
0x1e: {  	s7 =	smul.u32 @!p0 $0xF7A, s2;
	p2 =	seq.s32 @!p0 s5, $0x0  }
0x1f: {  	s9 =	smul.u32 $0xF7A, s1;
	s8 =	simm.s32 @!p0 $0x1BF5;
	p2 =	por !p2, p0  }
0x20: {  	[sflag:s8] =	ssyncset.s32 @!p0 $0xFFFFF086;
	s6 =	sadd.s32 @!p0 s3, s7;
	s7 =	simm.s32 @!p0 $0x108  }
0x21: {  	s3 =	sadd.s32 s3, s9;
	s6 =	sadd.s32 @!p0 $0x88, s6;
	s7 =	simm.s32 @p2 $0x1082  }
0x22: {  	[simem:s7], [sflag:s8] =	dma.local @!p0 [hbm:s6], $0xF7A  }
0x23: {  	s9 =	sor.u32 $0xD0000000, s2;
	s6 =	simm.s32 $0x108;
	_ =	swait.ge @!p0 [sflag:s8], $0x0  }
0x24: {  	s3 =	sadd.s32 $0x88, s3;
	s6 =	simm.s32 @!p1 $0x1082;
	[sflag:s4] =	ssyncset.s32 $0xFFFFF086  }
0x25: {  	[simem:s6], [sflag:s4] =	dma.local [hbm:s3], $0xF7A  }
0x26: {  	[smem:$0x3F99] =	sst s1;
	(tag) =	ssettag s2;
	_ =	strace s9  }
0x27: {  	s1 =	sld [smem:$0x3FA9]  }
0x28: {  	s2 =	sld [smem:$0x3FAA]  }
0x29: {  	s4 =	sld [smem:$0x3FAC]  }
0x2a: {  	p0 =	seq.s32 s5, $0x0;
	s5 =	sld [smem:$0x3FAD]  }
0x2b: {  	s6 =	sld [smem:$0x3FAE]  }
0x2c: {  	s7 =	sld [smem:$0x3FAF]  }
0x2d: {  	s3 =	simm.s32 $0x108;
	s8 =	sld [smem:$0x3FB0]  }
0x2e: {  	s3 =	simm.s32 @!p0 $0x1082;
	s9 =	sld [smem:$0x3FB1]  }
0x2f: {  	lr =	sadd.s32 s0, s3;
	s0 =	sld [smem:$0x3FA8]  }
0x30: {  	s3 =	sld [smem:$0x3FAB]  }
0x31: {  	[smem:$0x3FB4] =	sst s10  }
0x32: {  	s10 =	sld [smem:$0x3FB2];
	_ =	sdelay $0x3  }
0x33: {  	p0 =	seq.s32 s10, $0x1;
	s10 =	sld [smem:$0x3FB4];
	_ =	sdelay $0x3  }
0x34: {  	[smem:$0x3FB4] =	sst s10  }
0x35: {  	s10 =	sld [smem:$0x3FB3];
	_ =	sdelay $0x3  }
0x36: {  	p1 =	seq.s32 s10, $0x1;
	s10 =	sld [smem:$0x3FB4];
	_ =	sdelay $0x3  }
0x37: {  	[smem:$0x3FB4] =	sst s10  }
0x38: {  	s10 =	sld [smem:$0x3FB5]  }
0x39: {  	_ = 	snop;
	(pc) =	sbr.ind lr, $3  }
0x3a: {  	_ = 	snop  }
0x3b: {  	_ = 	snop  }
0x3c: {  	p2 =	seq.s32 s10, $0x1;
	s10 =	sld [smem:$0x3FB4]  }
0x3d: {  	_ =	shalt  }
0x3e: {  	_ =	shalt  }
0x3f: {  	_ =	shalt  }
0x40: {  	_ =	shalt  }
0x41: {  	_ =	shalt  }
0x42: {  	_ =	shalt  }
0x43: {  	_ =	shalt  }
0x44: {  	_ =	shalt  }
0x45: {  	_ =	shalt  }
0x46: {  	_ =	shalt  }
0x47: {  	_ =	shalt  }
0x48: {  	_ =	shalt  }
0x49: {  	_ =	shalt  }
0x4a: {  	_ =	shalt  }
0x4b: {  	_ =	shalt  }
0x4c: {  	_ =	shalt  }
0x4d: {  	_ =	shalt  }
0x4e: {  	_ =	shalt  }
0x4f: {  	_ =	shalt  }
0x50: {  	_ =	shalt  }
0x51: {  	_ =	shalt  }
0x52: {  	_ =	shalt  }
0x53: {  	_ =	shalt  }
0x54: {  	_ =	shalt  }
0x55: {  	_ =	shalt  }
0x56: {  	_ =	shalt  }
0x57: {  	_ =	shalt  }
0x58: {  	_ =	shalt  }
0x59: {  	_ =	shalt  }
0x5a: {  	_ =	shalt  }
0x5b: {  	_ =	shalt  }
0x5c: {  	_ =	shalt  }
0x5d: {  	_ =	shalt  }
0x5e: {  	_ =	shalt  }
0x5f: {  	_ =	shalt  }
0x60: {  	_ =	shalt  }
0x61: {  	_ =	shalt  }
0x62: {  	_ =	shalt  }
0x63: {  	_ =	shalt  }
0x64: {  	_ =	shalt  }
0x65: {  	_ =	shalt  }
0x66: {  	_ =	shalt  }
0x67: {  	_ =	shalt  }
0x68: {  	_ =	shalt  }
0x69: {  	_ =	shalt  }
0x6a: {  	_ =	shalt  }
0x6b: {  	_ =	shalt  }
0x6c: {  	_ =	shalt  }
0x6d: {  	_ =	shalt  }
0x6e: {  	_ =	shalt  }
0x6f: {  	_ =	shalt  }
0x70: {  	_ =	shalt  }
0x71: {  	_ =	shalt  }
0x72: {  	_ =	shalt  }
0x73: {  	_ =	shalt  }
0x74: {  	_ =	shalt  }
0x75: {  	_ =	shalt  }
0x76: {  	_ =	shalt  }
0x77: {  	_ =	shalt  }
0x78: {  	_ =	shalt  }
0x79: {  	_ =	shalt  }
0x7a: {  	_ =	shalt  }
0x7b: {  	_ =	shalt  }
0x7c: {  	_ =	shalt  }
0x7d: {  	_ =	shalt  }
0x7e: {  	_ =	shalt  }
0x7f: {  	_ =	shalt  }
0x80: {  	_ =	shalt  }
0x81: {  	_ =	shalt  }
0x82: {  	_ =	shalt  }
0x83: {  	_ =	shalt  }
0x84: {  	_ =	shalt  }
0x85: {  	_ =	shalt  }
0x86: {  	_ =	shalt  }
0x87: {  	_ =	shalt  }
.Lfunc_end0:
.L_simem_size_0:
called_computation_lowered:
.L_overlay_start_0:
0x88: {  	s2 =	sld [smem:$0x3FD9]  }
0x89: {  	s3 =	sld [smem:$0x3FFE];
	_ =	sdelay $0x1  }
0x8a: {  	s1 =	srdreg.scid  }
0x8b: {  	s0 =	sand.u32 $0x1, s1  }
0x8c: {  	s17 =	sshll.u32 s0, $0xA;
	s2 =	sadd.s32 s3, s2  }
0x8d: {  	s2 =	sadd.s32 s2, s17  }
0x8e: {  	[smem:$0x3FC0] =	sst s2  }
0x8f: {  	_ = 	snop  }
0x90: {  	(tm) =	ssettm $0x1  }
0x91: {  	s18 =	sld [smem:$0x3FFB];
	_ =	sdelay $0x3  }
0x92: {  	_ =	strace s18  }
0x93: {  	s2 =	sld [smem:$0x3FFC];
	_ =	sdelay $0x3  }
0x94: {  	_ =	strace s2  }
0x95: {  	s2 =	sld [smem:$0x3FFD];
	_ =	sdelay $0x3  }
0x96: {  	_ =	strace s2  }
0x97: {  	_ =	strace $0x8FFFFFFF  }
0x98: {  	s19 =	sld [smem:$0x3FDB];
	_ =	sdelay $0x1  }
0x99: {  	s20 =	simm.s32 $_scs_section_size  }
0x9a: {  	s4 =	simm.s32 $_size__tile_overlayer_lowered;
	s5 =	simm.s32 $_tile_overlayer_lowered  }
0x9b: {  	s6 =	simm.s32 $0x1BFF;
	s21 =	sshll.u32 s5, $0x1;
	s3 =	sadd.s32 s20, s19  }
0x9c: {  	s22 =	simm.s32 $0x0;
	s4 =	sshll.u32 s4, $0x1;
	s5 =	sadd.s32 s21, s3  }
0x9d: {  	[timem:s22], [sflag:s6] =	dma.local [hbm:s5], s4  }
0x9e: {  	_ =	swait.ge [sflag:s6], s4  }
0x9f: {  	s4 =	ssub.s32 $0x0, s4;
	[sflag:s6] =	ssyncset.done $0x0  }
0xa0: {  	[sflag:s6] =	ssyncadd.s32 s4;
	_ =	sdelay $0x1  }
0xa1: {  	s23 =	simm.s32 $0x1B8B  }
0xa2: {  	_ =	swait.ge [sflag:s23], $0x1  }
0xa3: {  	[sflag:s23] =	ssyncset.done $0x0  }
0xa4: {  	[sflag:s23] =	ssyncadd.s32 $0xFFFFFFFF  }
0xa5: {  	s4 =	sld [smem:$0x0]  }
0xa6: {  	s5 =	sand.u32 $0xFFFFFFFE, s1  }
0xa7: {  	p0 =	sne.s32 s1, s5  }
0xa8: {  	s5 =	sshll.u32 @p0 s5, $0xE  }
0xa9: {  	s5 =	sadd.s32 @p0 $0x11B8D, s5;
	s6 =	sshll.u32 @p0 s4, $0x11  }
0xaa: {  	s5 =	sor.u32 @p0 s6, s5  }
0xab: {  	[sflag:s5] =	ssyncadd.remote.s32 @p0 $0x1;
	_ =	sdelay $0x1  }
0xac: {  	s5 =	simm.s32 @p0 $0x1B8D  }
0xad: {  	_ =	swait.eq @p0 [sflag:s5], $0x1  }
0xae: {  	[sflag:s5] =	ssyncadd.s32 @p0 $0xFFFFFFFF  }
0xaf: {  	s6 =	sshll.u32 @!p0 s1, $0xE  }
0xb0: {  	s6 =	sor.u32 @!p0 $0x4000, s6;
	s5 =	simm.s32 @!p0 $0x1B8D  }
0xb1: {  	s4 =	sshll.u32 @!p0 s4, $0x11;
	s6 =	sadd.s32 @!p0 $0x11B8D, s6;
	_ =	swait.eq @!p0 [sflag:s5], $0x1  }
0xb2: {  	s4 =	sor.u32 @!p0 s4, s6;
	[sflag:s5] =	ssyncadd.s32 @!p0 $0xFFFFFFFF  }
0xb3: {  	s25 =	simm.s32 $0x1B8E;
	s24 =	sld [smem:$0x3FFE];
	[sflag:s4] =	ssyncadd.remote.s32 @!p0 $0x1  }
0xb4: {  	s26 =	simm.s32 $execute0_lowered;
	[smem:$0x3FD2] =	sst s25  }
0xb5: {  	s5 =	sshll.u32 s26, $0x1;
	_ =	strace $0x80000049;
	[dreg:$0x1] =	wrdreg $0xFFFFFFFF  }
0xb6: {  	s28 =	simm.s32 $_size_execute0_lowered;
	s3 =	sadd.s32 s3, s5;
	[dreg:$0x0] =	wrdreg $0x0  }
0xb7: {  	s5 =	sshll.u32 s28, $0x1;
	[dreg:$0x2] =	wrdreg s3  }
0xb8: {  	[dreg:$0x3] =	wrdreg s5  }
0xb9: {  	[dreg:$0x4] =	wrdreg $0xC0  }
0xba: {  	_ =	task [dreg:s22], $0x5FFFF  }
0xbb: {  	[dreg:$0x1] =	wrdreg $0xFFFFFFFF  }
0xbc: {  	[dreg:$0x0] =	wrdreg $0x60  }
0xbd: {  	[dreg:$0x2] =	wrdreg s24  }
0xbe: {  	[dreg:$0x3] =	wrdreg $0x9  }
0xbf: {  	_ =	task.clear_ibuf [dreg:s22], $0x4FFFF;
	_ =	strace $0x90000049  }
0xc0: {  	s29 =	simm.s32 $0x9;
	_ =	strace $0x8000004B  }
0xc1: {  	_ =	swait.ge [sflag:s29], $0x1  }
0xc2: {  	[sflag:s29] =	ssyncadd.s32 $0xFFFFFFFF  }
0xc3: {  	_ =	strace $0x9000004B  }
0xc4: {  	_ =	sfence  }
0xc5: {  	s30 =	sld [smem:$0x0];
	_ =	sdelay $0x2  }
0xc6: {  	s31 =	sshll.u32 s1, $0xD;
	s1 =	sshrl.u32 s1, $0x2  }
0xc7: {  	s4 =	sand.u32 $0x4000, s31;
	s1 =	sadd.s32 s1, s30  }
0xc8: {  	s0 =	sor.u32 s4, s0;
	s1 =	sshll.u32 s1, $0x11  }
0xc9: {  	s0 =	sor.u32 s1, s0  }
0xca: {  	s0 =	sadd.s32 $0x8F2B, s0  }
0xcb: {  	[sflag:s0] =	ssyncadd.remote.s32 $0x1  }
0xcc: {  	_ =	sfence.sel $0xFFFF  }
0xcd: {  	[dreg:$0x0] =	wrdreg $0xFFFFFFFF;
	(pc) =	sbr.abs _section_cstart, $3  }
0xce: {  	[dreg:$0x1] =	wrdreg $0xFFFFFFFF  }
0xcf: {  	_ =	task.clear_ibuf [dreg:s22], $0x2FFFF;
	_ =	strace $0x9FFFFFFF  }
0xd0: {  	(tm) =	ssettm $0x7FFFFFFF  }
0xd1: {  	_ =	shalt  }
tec
execute0_lowered:
.L_overlay_start_1:
0x0: {  	(tag) =	ssettag $0x1  }
0x1: {  	s1 =	srdreg.scid  }
0x2: {  	s0 =	stileid.u32;
	s4 =	rddreg [dreg:$0x0];
	s2 =	simm.s32 $0x0  }
0x3: {  	s9 =	simm.s32 $0x1;
	s10 =	simm.s32 $0x80;
	s11 =	simm.s32 $0x6400  }
0x4: {  	s12 =	simm.s32 $0x8400;
	s13 =	simm.s32 $0x100;
	s14 =	simm.s32 $0xA400  }
0x5: {  	s15 =	simm.s32 $0x180;
	s16 =	simm.s32 $0xC400;
	s17 =	simm.s32 $0x2  }
0x6: {  	s18 =	simm.s32 $0x3;
	s3 =	sand.u32 $0x1, s1;
	s1 =	rddreg [dreg:$0x1]  }
0x7: {  	s19 =	simm.s32 $0x0;
	s5 =	sshll.u32 s0, $0x1;
	[smem:$0x7FF] =	sst s2  }
0x8: {  	s5 =	sor.u32 s3, s5;
	_ =	strace $0x8000004A;
	s7 =	ssub.s32 $0x2, s3  }
0x9: {  	s3 =	sadd.s32 $0x1A7A00, s4;
	s6 =	sshll.u32 s5, $0x6;
	s5 =	sshll.u32 s5, $0xC  }
0xa: {  	s8 =	sshrl.u32 s7, $0x1;
	s6 =	sadd.s32 s6, s4;
	s5 =	sadd.s32 s5, s4  }
0xb: {  	s7 =	ssub.s32 s7, s8;
	s8 =	simm.s32 $0x4000;
	s4 =	sadd.s32 $0x21000, s6  }
0xc: {  	s5 =	sadd.s32 $0x3A000, s5;
	s6 =	smax.u32 s7, $0x1;
	s7 =	simm.s32 $0x200  }
.LBB2_1:
0xd: {  	[tilespmem:s2], [sflag:$0x1] =	stream.strided.gather [hbm4b:s4+s7], $0x6400, s8, s7, $0x38;
	[tilespmem:$0xE400] =	vst v63  }
0xe: {  	_ =	swait.ge [sflag:s9], $0x6400  }
0xf: {  	[sflag:s9] =	ssyncset.done $0x0  }
0x10: {  	[sflag:s9] =	ssyncadd.s32 $0xFFFF9C00  }
0x11: {  	[tilespmem:s11], [sflag:$0x2] =	stream.indirect.gather [hbm4b:s3+s10], $0x40, s2, s10, $0xb8;
	[tilespmem:$0xE400] =	vst v63  }
0x12: {  	_ = 	snop  }
0x13: {  	[tilespmem:s12], [sflag:$0x2] =	stream.indirect.gather [hbm4b:s3+s10], $0x40, s10, s10, $0xb8;
	[tilespmem:$0xE400] =	vst v63  }
0x14: {  	_ = 	snop  }
0x15: {  	[tilespmem:s14], [sflag:$0x2] =	stream.indirect.gather [hbm4b:s3+s10], $0x40, s13, s10, $0xb8;
	[tilespmem:$0xE400] =	vst v63  }
0x16: {  	_ = 	snop  }
0x17: {  	[tilespmem:s16], [sflag:$0x2] =	stream.indirect.gather [hbm4b:s3+s10], $0x40, s15, s10, $0xb8;
	[tilespmem:$0xE400] =	vst v63  }
0x18: {  	_ =	swait.ge [sflag:s17], $0x2000  }
0x19: {  	[sflag:s17] =	ssyncset.done $0x0  }
0x1a: {  	[sflag:s17] =	ssyncadd.s32 $0xFFFFE000  }
0x1b: {  	_ =	swait.ge [sflag:s17], $0x2000  }
0x1c: {  	[sflag:s17] =	ssyncset.done $0x0  }
0x1d: {  	[sflag:s17] =	ssyncadd.s32 $0xFFFFE000  }
0x1e: {  	_ =	swait.ge [sflag:s17], $0x2000  }
0x1f: {  	[sflag:s17] =	ssyncset.done $0x0  }
0x20: {  	[sflag:s17] =	ssyncadd.s32 $0xFFFFE000  }
0x21: {  	_ =	swait.ge [sflag:s17], $0x2000  }
0x22: {  	[sflag:s17] =	ssyncset.done $0x0  }
0x23: {  	s20 =	simm.s32 $0x200;
	[sflag:s17] =	ssyncadd.s32 $0xFFFFE000  }
0x24: {  	[tilespmem:s11], [sflag:$0x2] =	stream.indirect.gather.add.f32 [hbm:s3], $0x40, s20, s10, $0xb8;
	[tilespmem:$0xE400] =	vst v63  }
0x25: {  	s29 =	simm.s32 $0x280  }
0x26: {  	[tilespmem:s12], [sflag:$0x2] =	stream.indirect.gather.add.f32 [hbm:s3], $0x40, s29, s10, $0xb8;
	[tilespmem:$0xE400] =	vst v63  }
0x27: {  	s30 =	simm.s32 $0x300  }
0x28: {  	[tilespmem:s14], [sflag:$0x2] =	stream.indirect.gather.add.f32 [hbm:s3], $0x40, s30, s10, $0xb8;
	[tilespmem:$0xE400] =	vst v63  }
0x29: {  	s31 =	simm.s32 $0x380  }
0x2a: {  	[tilespmem:s16], [sflag:$0x2] =	stream.indirect.gather.add.f32 [hbm:s3], $0x40, s31, s10, $0xb8;
	[tilespmem:$0xE400] =	vst v63  }
0x2b: {  	_ =	swait.ge [sflag:s17], $0x2000  }
0x2c: {  	[sflag:s17] =	ssyncset.done $0x0  }
0x2d: {  	[sflag:s17] =	ssyncadd.s32 $0xFFFFE000  }
0x2e: {  	_ =	swait.ge [sflag:s17], $0x2000  }
0x2f: {  	[sflag:s17] =	ssyncset.done $0x0  }
0x30: {  	[sflag:s17] =	ssyncadd.s32 $0xFFFFE000  }
0x31: {  	_ =	swait.ge [sflag:s17], $0x2000  }
0x32: {  	[sflag:s17] =	ssyncset.done $0x0  }
0x33: {  	[sflag:s17] =	ssyncadd.s32 $0xFFFFE000  }
0x34: {  	_ =	swait.ge [sflag:s17], $0x2000  }
0x35: {  	s21 =	simm.s32 $0xFFFE8800;
	s20 =	simm.s32 $0xFFFFA000;
	[sflag:s17] =	ssyncset.done $0x0  }
.LBB2_2:
0x36: {  	s22 =	sadd.s32 $0x6400, s20  }
0x37: {  	[sflag:s17] =	ssyncadd.s32 $0xFFFFE000;
	s23 =	smov.u32 s21;
	s24 =	sadd.s32 $0x800, s21  }
0x38: {  	[tilespmem:s11], [sflag:$0x2] =	stream.indirect.gather.add.f32 [hbm:s3], $0x40, s22, s10, $0xb8;
	[tilespmem:$0xE400] =	vst v63  }
0x39: {  	p0 =	sne.s32 s21, $0xFFFFF800;
	s21 =	sadd.s32 $0x6480, s20  }
0x3a: {  	[tilespmem:s12], [sflag:$0x2] =	stream.indirect.gather.add.f32 [hbm:s3], $0x40, s21, s10, $0xb8;
	[tilespmem:$0xE400] =	vst v63  }
0x3b: {  	s21 =	sadd.s32 $0x6500, s20  }
0x3c: {  	[tilespmem:s14], [sflag:$0x2] =	stream.indirect.gather.add.f32 [hbm:s3], $0x40, s21, s10, $0xb8;
	[tilespmem:$0xE400] =	vst v63  }
0x3d: {  	s20 =	sadd.s32 $0x6580, s20  }
0x3e: {  	[tilespmem:s16], [sflag:$0x2] =	stream.indirect.gather.add.f32 [hbm:s3], $0x40, s20, s10, $0xb8;
	[tilespmem:$0xE400] =	vst v63  }
0x3f: {  	_ =	swait.ge [sflag:s17], $0x2000  }
0x40: {  	[sflag:s17] =	ssyncset.done $0x0  }
0x41: {  	[sflag:s17] =	ssyncadd.s32 $0xFFFFE000  }
0x42: {  	_ =	swait.ge [sflag:s17], $0x2000  }
0x43: {  	[sflag:s17] =	ssyncset.done $0x0  }
0x44: {  	[sflag:s17] =	ssyncadd.s32 $0xFFFFE000  }
.Ltmp0:
0x45: {  	_ =	swait.ge [sflag:s17], $0x2000;
	(pc) =	sbr.rel @p0 .LBB2_2-.Ltmp0, $4  }
0x46: {  	[sflag:s17] =	ssyncset.done $0x0  }
0x47: {  	[sflag:s17] =	ssyncadd.s32 $0xFFFFE000  }
0x48: {  	_ =	swait.ge [sflag:s17], $0x2000  }
0x49: {  	s21 =	smov.u32 s24;
	s20 =	sshra.s32 s23, $0x2;
	[sflag:s17] =	ssyncset.done $0x0  }
0x4a: {  	s21 =	sadd.s32 $0x6400, s20;
	[sflag:s17] =	ssyncadd.s32 $0xFFFFE000  }
0x4b: {  	[tilespmem:s11], [sflag:$0x2] =	stream.indirect.gather.add.f32 [hbm:s3], $0x40, s21, s10, $0xb8;
	[tilespmem:$0xE400] =	vst v63  }
0x4c: {  	s29 =	sadd.s32 $0x6480, s20  }
0x4d: {  	[tilespmem:s12], [sflag:$0x2] =	stream.indirect.gather.add.f32 [hbm:s3], $0x40, s29, s10, $0xb8;
	[tilespmem:$0xE400] =	vst v63  }
0x4e: {  	s30 =	sadd.s32 $0x6500, s20  }
0x4f: {  	[tilespmem:s14], [sflag:$0x2] =	stream.indirect.gather.add.f32 [hbm:s3], $0x40, s30, s10, $0xb8;
	[tilespmem:$0xE400] =	vst v63  }
0x50: {  	s31 =	sadd.s32 $0x6580, s20  }
0x51: {  	[tilespmem:s16], [sflag:$0x2] =	stream.indirect.gather.add.f32 [hbm:s3], $0x40, s31, s10, $0xb8;
	[tilespmem:$0xE400] =	vst v63  }
0x52: {  	_ =	swait.ge [sflag:s17], $0x2000  }
0x53: {  	[sflag:s17] =	ssyncset.done $0x0  }
0x54: {  	[sflag:s17] =	ssyncadd.s32 $0xFFFFE000  }
0x55: {  	_ =	swait.ge [sflag:s17], $0x2000  }
0x56: {  	[sflag:s17] =	ssyncset.done $0x0  }
0x57: {  	[sflag:s17] =	ssyncadd.s32 $0xFFFFE000  }
0x58: {  	_ =	swait.ge [sflag:s17], $0x2000  }
0x59: {  	[sflag:s17] =	ssyncset.done $0x0  }
0x5a: {  	[sflag:s17] =	ssyncadd.s32 $0xFFFFE000  }
0x5b: {  	s19 =	sadd.s32 $0x1, s19;
	_ =	swait.ge [sflag:s17], $0x2000  }
0x5c: {  	p0 =	sne.s32 s19, s6;
	[sflag:s17] =	ssyncset.done $0x0  }
.Ltmp1:
0x5d: {  	[sflag:s17] =	ssyncadd.s32 $0xFFFFE000;
	(pc) =	sbr.rel @p0 .LBB2_1-.Ltmp1, $4  }
0x5e: {  	[hbm4b:s5+s2] =	stream.linear.scatter [tilespmem:s11], [sflag:$0x3], $0x8000, $0x38;
	[tilespmem:$0xE400] =	vst v63  }
0x5f: {  	_ =	swait.ge [sflag:s18], $0x8000  }
0x60: {  	[sflag:s18] =	ssyncset.done $0x0  }
0x61: {  	[sflag:s18] =	ssyncadd.s32 $0xFFFF8000  }
0x62: {  	_ =	sfence.sel $0x180000  }
0x63: {  	[bflag:$0x0] =	sbarrier.arrive $0xFFFF  }
0x64: {  	p0 =	sne.s32 s0, $0x0;
	_ =	strace $0x9000004A  }
0x65: {  	s0 =	sadd.s32 @!p0 $0x100000, s1;
	[bflag:$0x2] =	sbarrier.arrive $0xFFFF  }
0x66: {  	[sflag:s0] =	ssyncadd.tile.s32 @!p0 $0x1;
	_ =	shalt  }
.Lfunc_end2:
_tile_overlayer_lowered:
.L_overlay_start_2:
0x67: {  	(tag) =	ssettag $0x2  }
0x68: {  	s0 =	rddreg [dreg:$0x0];
	s2 =	stileid.u32  }
0x69: {  	s1 =	rddreg [dreg:$0x1];
	p0 =	sne.s32 s2, $0x0  }
0x6a: {  	s3 =	rddreg [dreg:$0x2];
	[bflag:$0x3] =	sbarrier.arrive $0xFFFF;
	s2 =	simm.s32 @!p0 $0x1C03  }
0x6b: {  	[timem:s3], [sflag:s2] =	dma.local @!p0 [hbm:s0], s1  }
0x6c: {  	s0 =	simm.s32 @!p0 $0x3  }
0x6d: {  	_ =	swait.ge @!p0 [sflag:s0], s1  }
0x6e: {  	s1 =	ssub.s32 @!p0 $0x0, s1;
	[sflag:s0] =	ssyncset.done @!p0 $0x0  }
0x6f: {  	[sflag:s0] =	ssyncadd.s32 @!p0 s1  }
0x70: {  	[bflag:$0x3] =	sbarrier.arrive $0xFFFF  }
0x71: {  	_ =	shalt  }

// kernel: kernel.8.cloned.1.call-start
scs
__scs_entry_jumppad:
0x0: {  	(pc) =	sbr.rel $0x88, $3  }
0x1: {  	(tag) =	ssettag $0x0;
	lr =	simm.s32 $0x1  }
0x2: {  	[smem:$0x3F99] =	sst lr;
	_ =	strace $0xD0000000  }
0x3: {  	_ = 	snop  }
0x4: {  	_ = 	snop  }
0x5: {  	_ = 	snop  }
0x6: {  	_ = 	snop  }
0x7: {  	_ = 	snop  }
__scs_overlays_trampoline_lowered:
0x8: {  	[smem:$0x3FA8] =	sst s0  }
0x9: {  	[smem:$0x3FA9] =	sst s1  }
0xa: {  	[smem:$0x3FAA] =	sst s2  }
0xb: {  	[smem:$0x3FAB] =	sst s3  }
0xc: {  	[smem:$0x3FAC] =	sst s4  }
0xd: {  	[smem:$0x3FAD] =	sst s5  }
0xe: {  	[smem:$0x3FAE] =	sst s6  }
0xf: {  	[smem:$0x3FAF] =	sst s7  }
0x10: {  	[smem:$0x3FB0] =	sst s8  }
0x11: {  	[smem:$0x3FB1] =	sst s9;
	s0 =	simm.s32 @!p0 $0x0  }
0x12: {  	s1 =	sld [smem:$0x3F97];
	s0 =	simm.s32 @p0 $0x1  }
0x13: {  	[smem:$0x3FB2] =	sst s0;
	s0 =	simm.s32 @!p1 $0x0  }
0x14: {  	s2 =	sld [smem:$0x3F96];
	s0 =	simm.s32 @p1 $0x1  }
0x15: {  	[smem:$0x3FB3] =	sst s0;
	s0 =	simm.s32 @!p2 $0x0  }
0x16: {  	s3 =	sld [smem:$0x3FDB];
	s0 =	simm.s32 @p2 $0x1  }
0x17: {  	s4 =	simm.s32 $0x1BF5;
	[smem:$0x3FB5] =	sst s0  }
0x18: {  	s0 =	sld [smem:$0x3F98];
	_ =	swait.ge [sflag:s4], $0x0  }
0x19: {  	s7 =	sld [smem:$0x3F99]  }
0x1a: {  	s8 =	sadd.s32 $0xFFFFE003, lr  }
0x1b: {  	s9 =	sadd.s32 $0xFFFFFEF7, lr;
	s5 =	simm.s32 $0xFFFFFFFF;
	p2 =	slt.u32 s8, $0xFFFFF086  }
0x1c: {  	p1 =	slt.u32 s9, $0xF7A;
	s5 =	simm.s32 @!p2 $0x0  }
0x1d: {  	s5 =	simm.s32 @p1 $0x1;
	p0 =	seq.s32 s7, s2  }
0x1e: {  	s7 =	smul.u32 @!p0 $0xF7A, s2;
	p2 =	seq.s32 @!p0 s5, $0x0  }
0x1f: {  	s9 =	smul.u32 $0xF7A, s1;
	s8 =	simm.s32 @!p0 $0x1BF5;
	p2 =	por !p2, p0  }
0x20: {  	[sflag:s8] =	ssyncset.s32 @!p0 $0xFFFFF086;
	s6 =	sadd.s32 @!p0 s3, s7;
	s7 =	simm.s32 @!p0 $0x108  }
0x21: {  	s3 =	sadd.s32 s3, s9;
	s6 =	sadd.s32 @!p0 $0x88, s6;
	s7 =	simm.s32 @p2 $0x1082  }
0x22: {  	[simem:s7], [sflag:s8] =	dma.local @!p0 [hbm:s6], $0xF7A  }
0x23: {  	s9 =	sor.u32 $0xD0000000, s2;
	s6 =	simm.s32 $0x108;
	_ =	swait.ge @!p0 [sflag:s8], $0x0  }
0x24: {  	s3 =	sadd.s32 $0x88, s3;
	s6 =	simm.s32 @!p1 $0x1082;
	[sflag:s4] =	ssyncset.s32 $0xFFFFF086  }
0x25: {  	[simem:s6], [sflag:s4] =	dma.local [hbm:s3], $0xF7A  }
0x26: {  	[smem:$0x3F99] =	sst s1;
	(tag) =	ssettag s2;
	_ =	strace s9  }
0x27: {  	s1 =	sld [smem:$0x3FA9]  }
0x28: {  	s2 =	sld [smem:$0x3FAA]  }
0x29: {  	s4 =	sld [smem:$0x3FAC]  }
0x2a: {  	p0 =	seq.s32 s5, $0x0;
	s5 =	sld [smem:$0x3FAD]  }
0x2b: {  	s6 =	sld [smem:$0x3FAE]  }
0x2c: {  	s7 =	sld [smem:$0x3FAF]  }
0x2d: {  	s3 =	simm.s32 $0x108;
	s8 =	sld [smem:$0x3FB0]  }
0x2e: {  	s3 =	simm.s32 @!p0 $0x1082;
	s9 =	sld [smem:$0x3FB1]  }
0x2f: {  	lr =	sadd.s32 s0, s3;
	s0 =	sld [smem:$0x3FA8]  }
0x30: {  	s3 =	sld [smem:$0x3FAB]  }
0x31: {  	[smem:$0x3FB4] =	sst s10  }
0x32: {  	s10 =	sld [smem:$0x3FB2];
	_ =	sdelay $0x3  }
0x33: {  	p0 =	seq.s32 s10, $0x1;
	s10 =	sld [smem:$0x3FB4];
	_ =	sdelay $0x3  }
0x34: {  	[smem:$0x3FB4] =	sst s10  }
0x35: {  	s10 =	sld [smem:$0x3FB3];
	_ =	sdelay $0x3  }
0x36: {  	p1 =	seq.s32 s10, $0x1;
	s10 =	sld [smem:$0x3FB4];
	_ =	sdelay $0x3  }
0x37: {  	[smem:$0x3FB4] =	sst s10  }
0x38: {  	s10 =	sld [smem:$0x3FB5]  }
0x39: {  	_ = 	snop;
	(pc) =	sbr.ind lr, $3  }
0x3a: {  	_ = 	snop  }
0x3b: {  	_ = 	snop  }
0x3c: {  	p2 =	seq.s32 s10, $0x1;
	s10 =	sld [smem:$0x3FB4]  }
0x3d: {  	_ =	shalt  }
0x3e: {  	_ =	shalt  }
0x3f: {  	_ =	shalt  }
0x40: {  	_ =	shalt  }
0x41: {  	_ =	shalt  }
0x42: {  	_ =	shalt  }
0x43: {  	_ =	shalt  }
0x44: {  	_ =	shalt  }
0x45: {  	_ =	shalt  }
0x46: {  	_ =	shalt  }
0x47: {  	_ =	shalt  }
0x48: {  	_ =	shalt  }
0x49: {  	_ =	shalt  }
0x4a: {  	_ =	shalt  }
0x4b: {  	_ =	shalt  }
0x4c: {  	_ =	shalt  }
0x4d: {  	_ =	shalt  }
0x4e: {  	_ =	shalt  }
0x4f: {  	_ =	shalt  }
0x50: {  	_ =	shalt  }
0x51: {  	_ =	shalt  }
0x52: {  	_ =	shalt  }
0x53: {  	_ =	shalt  }
0x54: {  	_ =	shalt  }
0x55: {  	_ =	shalt  }
0x56: {  	_ =	shalt  }
0x57: {  	_ =	shalt  }
0x58: {  	_ =	shalt  }
0x59: {  	_ =	shalt  }
0x5a: {  	_ =	shalt  }
0x5b: {  	_ =	shalt  }
0x5c: {  	_ =	shalt  }
0x5d: {  	_ =	shalt  }
0x5e: {  	_ =	shalt  }
0x5f: {  	_ =	shalt  }
0x60: {  	_ =	shalt  }
0x61: {  	_ =	shalt  }
0x62: {  	_ =	shalt  }
0x63: {  	_ =	shalt  }
0x64: {  	_ =	shalt  }
0x65: {  	_ =	shalt  }
0x66: {  	_ =	shalt  }
0x67: {  	_ =	shalt  }
0x68: {  	_ =	shalt  }
0x69: {  	_ =	shalt  }
0x6a: {  	_ =	shalt  }
0x6b: {  	_ =	shalt  }
0x6c: {  	_ =	shalt  }
0x6d: {  	_ =	shalt  }
0x6e: {  	_ =	shalt  }
0x6f: {  	_ =	shalt  }
0x70: {  	_ =	shalt  }
0x71: {  	_ =	shalt  }
0x72: {  	_ =	shalt  }
0x73: {  	_ =	shalt  }
0x74: {  	_ =	shalt  }
0x75: {  	_ =	shalt  }
0x76: {  	_ =	shalt  }
0x77: {  	_ =	shalt  }
0x78: {  	_ =	shalt  }
0x79: {  	_ =	shalt  }
0x7a: {  	_ =	shalt  }
0x7b: {  	_ =	shalt  }
0x7c: {  	_ =	shalt  }
0x7d: {  	_ =	shalt  }
0x7e: {  	_ =	shalt  }
0x7f: {  	_ =	shalt  }
0x80: {  	_ =	shalt  }
0x81: {  	_ =	shalt  }
0x82: {  	_ =	shalt  }
0x83: {  	_ =	shalt  }
0x84: {  	_ =	shalt  }
0x85: {  	_ =	shalt  }
0x86: {  	_ =	shalt  }
0x87: {  	_ =	shalt  }
.Lfunc_end0:
.L_simem_size_0:
called_computation.1_lowered:
.L_overlay_start_0:
0x88: {  	s2 =	sld [smem:$0x3FD9]  }
0x89: {  	s3 =	sld [smem:$0x3FFE];
	_ =	sdelay $0x1  }
0x8a: {  	s1 =	srdreg.scid  }
0x8b: {  	s0 =	sand.u32 $0x1, s1  }
0x8c: {  	s17 =	sshll.u32 s0, $0xA;
	s2 =	sadd.s32 s3, s2  }
0x8d: {  	s2 =	sadd.s32 s2, s17  }
0x8e: {  	[smem:$0x3FC0] =	sst s2  }
0x8f: {  	_ = 	snop  }
0x90: {  	s2 =	sld [smem:$0x3FC9];
	(tm) =	ssettm $0x1  }
0x91: {  	s18 =	sld [smem:$0x3FFB];
	_ =	sdelay $0x3  }
0x92: {  	_ =	strace s18  }
0x93: {  	s3 =	sld [smem:$0x3FFC];
	_ =	sdelay $0x3  }
0x94: {  	_ =	strace s3  }
0x95: {  	s3 =	sld [smem:$0x3FFD];
	_ =	sdelay $0x3  }
0x96: {  	_ =	strace s3  }
0x97: {  	_ =	strace $0x8FFFFFFF  }
0x98: {  	s19 =	sld [smem:$0x3FDB];
	_ =	sdelay $0x1  }
0x99: {  	s4 =	simm.s32 $_scs_section_size  }
0x9a: {  	s5 =	simm.s32 $_size__tile_overlayer_lowered;
	s6 =	simm.s32 $_tile_overlayer_lowered  }
0x9b: {  	s22 =	simm.s32 $0x1BFF;
	s21 =	sshll.u32 s6, $0x1;
	s3 =	sadd.s32 s4, s19  }
0x9c: {  	s7 =	simm.s32 $0x0;
	s20 =	sshll.u32 s5, $0x1;
	s5 =	sadd.s32 s21, s3  }
0x9d: {  	[timem:s7], [sflag:s22] =	dma.local [hbm:s5], s20  }
0x9e: {  	_ =	swait.ge [sflag:s22], s20  }
0x9f: {  	s4 =	ssub.s32 $0x0, s20;
	[sflag:s22] =	ssyncset.done $0x0  }
0xa0: {  	[sflag:s22] =	ssyncadd.s32 s4;
	_ =	sdelay $0x1  }
0xa1: {  	s23 =	simm.s32 $0x1B8B  }
0xa2: {  	_ =	swait.ge [sflag:s23], $0x1  }
0xa3: {  	[sflag:s23] =	ssyncset.done $0x0  }
0xa4: {  	s25 =	simm.s32 $0x1B8E;
	s24 =	sld [smem:$0x3FFE];
	[sflag:s23] =	ssyncadd.s32 $0xFFFFFFFF  }
0xa5: {  	s26 =	simm.s32 $execute0_lowered;
	[smem:$0x3FD2] =	sst s25  }
0xa6: {  	s5 =	sshll.u32 s26, $0x1;
	_ =	strace $0x80000046;
	[dreg:$0x1] =	wrdreg $0xFFFFFFFF  }
0xa7: {  	s28 =	simm.s32 $_size_execute0_lowered;
	s3 =	sadd.s32 s3, s5;
	[dreg:$0x0] =	wrdreg $0x0  }
0xa8: {  	s5 =	sshll.u32 s28, $0x1;
	[dreg:$0x2] =	wrdreg s3  }
0xa9: {  	[dreg:$0x3] =	wrdreg s5  }
0xaa: {  	[dreg:$0x4] =	wrdreg $0xC0  }
0xab: {  	_ =	task [dreg:s7], $0x5FFFF  }
0xac: {  	[dreg:$0x1] =	wrdreg $0xFFFFFFFF  }
0xad: {  	[dreg:$0x0] =	wrdreg $0x60  }
0xae: {  	[dreg:$0x2] =	wrdreg s2  }
0xaf: {  	[dreg:$0x3] =	wrdreg s24  }
0xb0: {  	[dreg:$0x4] =	wrdreg $0xA  }
0xb1: {  	_ =	task.clear_ibuf [dreg:s7], $0x5FFFF;
	_ =	strace $0x90000046  }
0xb2: {  	s29 =	simm.s32 $0xA;
	_ =	strace $0x80000048  }
0xb3: {  	_ =	swait.ge [sflag:s29], $0x1  }
0xb4: {  	[sflag:s29] =	ssyncadd.s32 $0xFFFFFFFF  }
0xb5: {  	_ =	strace $0x90000048  }
0xb6: {  	_ =	sfence  }
0xb7: {  	s30 =	sld [smem:$0x0];
	_ =	sdelay $0x2  }
0xb8: {  	s31 =	sshll.u32 s1, $0xD;
	s1 =	sshrl.u32 s1, $0x2  }
0xb9: {  	s3 =	sand.u32 $0x4000, s31;
	s1 =	sadd.s32 s1, s30  }
0xba: {  	s0 =	sor.u32 s3, s0;
	s1 =	sshll.u32 s1, $0x11  }
0xbb: {  	s0 =	sor.u32 s1, s0  }
0xbc: {  	s0 =	sadd.s32 $0x8F2B, s0  }
0xbd: {  	[sflag:s0] =	ssyncadd.remote.s32 $0x1  }
0xbe: {  	_ =	sfence.sel $0xFFFF  }
0xbf: {  	[dreg:$0x0] =	wrdreg $0xFFFFFFFF;
	(pc) =	sbr.abs _section_cstart, $3  }
0xc0: {  	[dreg:$0x1] =	wrdreg $0xFFFFFFFF  }
0xc1: {  	_ =	task.clear_ibuf [dreg:s7], $0x2FFFF;
	_ =	strace $0x9FFFFFFF  }
0xc2: {  	(tm) =	ssettm $0x7FFFFFFF  }
0xc3: {  	_ =	shalt  }
tec
execute0_lowered:
.L_overlay_start_1:
0x0: {  	(tag) =	ssettag $0x1  }
0x1: {  	s3 =	rddreg [dreg:$0x0]  }
0x2: {  	s1 =	srdreg.scid;
	s0 =	stileid.u32  }
0x3: {  	s14 =	rddreg [dreg:$0x1];
	s15 =	sand.u32 $0x1, s1;
	s4 =	sshll.u32 s0, $0x1  }
0x4: {  	s2 =	simm.s32 $0x0;
	s1 =	rddreg [dreg:$0x2];
	s16 =	sor.u32 s15, s4  }
0x5: {  	[smem:$0x7FF] =	sst s2;
	s4 =	sshll.u32 s16, $0x6  }
0x6: {  	_ =	strace $0x80000047;
	s3 =	sadd.s32 s3, s4;
	s4 =	simm.s32 $0x1  }
0x7: {  	[tilespmem:s2], [sflag:$0x1] =	stream.linear.gather [hbm4b:s3+s2], $0x200, $0x38;
	[tilespmem:$0x8200] =	vst v63  }
0x8: {  	_ =	swait.ge [sflag:s4], $0x200  }
0x9: {  	s6 =	simm.s32 $0x80;
	[sflag:s4] =	ssyncset.done $0x0  }
0xa: {  	s7 =	simm.s32 $0x200;
	s5 =	sadd.s32 $0xF43400, s14;
	[sflag:s4] =	ssyncadd.s32 $0xFFFFFE00  }
0xb: {  	[tilespmem:s7], [sflag:$0x2] =	stream.indirect.gather [hbm4b:s5+s6], $0x40, s2, s6, $0xb8;
	[tilespmem:$0x8200] =	vst v63  }
0xc: {  	s8 =	simm.s32 $0x2200  }
0xd: {  	[tilespmem:s8], [sflag:$0x2] =	stream.indirect.gather [hbm4b:s5+s6], $0x40, s6, s6, $0xb8;
	[tilespmem:$0x8200] =	vst v63  }
0xe: {  	s9 =	simm.s32 $0x100;
	s10 =	simm.s32 $0x4200  }
0xf: {  	[tilespmem:s10], [sflag:$0x2] =	stream.indirect.gather [hbm4b:s5+s6], $0x40, s9, s6, $0xb8;
	[tilespmem:$0x8200] =	vst v63  }
0x10: {  	s11 =	simm.s32 $0x180;
	s12 =	simm.s32 $0x6200;
	s13 =	simm.s32 $0x2  }
0x11: {  	[tilespmem:s12], [sflag:$0x2] =	stream.indirect.gather [hbm4b:s5+s6], $0x40, s11, s6, $0xb8;
	[tilespmem:$0x8200] =	vst v63  }
0x12: {  	_ =	swait.ge [sflag:s13], $0x2000  }
0x13: {  	[sflag:s13] =	ssyncset.done $0x0  }
0x14: {  	[sflag:s13] =	ssyncadd.s32 $0xFFFFE000  }
0x15: {  	_ =	swait.ge [sflag:s13], $0x2000  }
0x16: {  	[sflag:s13] =	ssyncset.done $0x0  }
0x17: {  	s15 =	ssub.s32 $0x2, s15;
	[sflag:s13] =	ssyncadd.s32 $0xFFFFE000  }
0x18: {  	s31 =	sshrl.u32 s15, $0x1;
	_ =	swait.ge [sflag:s13], $0x2000  }
0x19: {  	s16 =	sshll.u32 s16, $0xC;
	s15 =	ssub.s32 s15, s31;
	[sflag:s13] =	ssyncset.done $0x0  }
0x1a: {  	s14 =	sadd.s32 s16, s14;
	s16 =	smax.u32 s15, $0x1;
	[sflag:s13] =	ssyncadd.s32 $0xFFFFE000  }
0x1b: {  	p0 =	sne.s32 s16, $0x1;
	_ =	swait.ge [sflag:s13], $0x2000  }
.Ltmp0:
0x1c: {  	[sflag:s13] =	ssyncset.done $0x0;
	(pc) =	sbr.rel @!p0 .LBB2_2-.Ltmp0, $4  }
0x1d: {  	s14 =	sadd.s32 $0x1000, s14;
	s15 =	simm.s32 $0x3;
	[sflag:s13] =	ssyncadd.s32 $0xFFFFE000  }
0x1e: {  	[hbm4b:s14+s2] =	stream.linear.scatter [tilespmem:s7], [sflag:$0x3], $0x8000, $0x38;
	[tilespmem:$0x8200] =	vst v63  }
0x1f: {  	_ =	swait.ge [sflag:s15], $0x8000  }
0x20: {  	s16 =	sadd.s32 $0xFFFFFFFF, s16;
	[sflag:s15] =	ssyncset.done $0x0  }
.LBB2_1:
0x21: {  	p0 =	sne.s32 s16, $0x1;
	s16 =	sadd.s32 $0xFFFFFFFF, s16;
	[sflag:s15] =	ssyncadd.s32 $0xFFFF8000  }
0x22: {  	[tilespmem:s2], [sflag:$0x1] =	stream.linear.gather [hbm4b:s3+s2], $0x200, $0x38;
	[tilespmem:$0x8200] =	vst v63  }
0x23: {  	_ =	swait.ge [sflag:s4], $0x200  }
0x24: {  	[sflag:s4] =	ssyncset.done $0x0  }
0x25: {  	[sflag:s4] =	ssyncadd.s32 $0xFFFFFE00  }
0x26: {  	[tilespmem:s7], [sflag:$0x2] =	stream.indirect.gather [hbm4b:s5+s6], $0x40, s2, s6, $0xb8;
	[tilespmem:$0x8200] =	vst v63  }
0x27: {  	_ = 	snop  }
0x28: {  	[tilespmem:s8], [sflag:$0x2] =	stream.indirect.gather [hbm4b:s5+s6], $0x40, s6, s6, $0xb8;
	[tilespmem:$0x8200] =	vst v63  }
0x29: {  	_ = 	snop  }
0x2a: {  	[tilespmem:s10], [sflag:$0x2] =	stream.indirect.gather [hbm4b:s5+s6], $0x40, s9, s6, $0xb8;
	[tilespmem:$0x8200] =	vst v63  }
0x2b: {  	_ = 	snop  }
0x2c: {  	[tilespmem:s12], [sflag:$0x2] =	stream.indirect.gather [hbm4b:s5+s6], $0x40, s11, s6, $0xb8;
	[tilespmem:$0x8200] =	vst v63  }
0x2d: {  	_ =	swait.ge [sflag:s13], $0x2000  }
0x2e: {  	[sflag:s13] =	ssyncset.done $0x0  }
0x2f: {  	[sflag:s13] =	ssyncadd.s32 $0xFFFFE000  }
0x30: {  	_ =	swait.ge [sflag:s13], $0x2000  }
0x31: {  	[sflag:s13] =	ssyncset.done $0x0  }
0x32: {  	[sflag:s13] =	ssyncadd.s32 $0xFFFFE000  }
0x33: {  	_ =	swait.ge [sflag:s13], $0x2000  }
0x34: {  	[sflag:s13] =	ssyncset.done $0x0  }
0x35: {  	[sflag:s13] =	ssyncadd.s32 $0xFFFFE000  }
0x36: {  	_ =	swait.ge [sflag:s13], $0x2000  }
.Ltmp1:
0x37: {  	[sflag:s13] =	ssyncset.done $0x0;
	(pc) =	sbr.rel @p0 .LBB2_1-.Ltmp1, $4  }
0x38: {  	[sflag:s13] =	ssyncadd.s32 $0xFFFFE000  }
0x39: {  	[hbm4b:s14+s2] =	stream.linear.scatter [tilespmem:s7], [sflag:$0x3], $0x8000, $0x38;
	[tilespmem:$0x8200] =	vst v63  }
0x3a: {  	_ =	swait.ge [sflag:s15], $0x8000  }
0x3b: {  	[sflag:s15] =	ssyncset.done $0x0  }
.LBB2_2:
0x3c: {  	[sflag:s15] =	ssyncadd.s32 $0xFFFF8000  }
0x3d: {  	_ =	sfence.sel $0x180000  }
0x3e: {  	[bflag:$0x0] =	sbarrier.arrive $0xFFFF  }
0x3f: {  	p0 =	sne.s32 s0, $0x0;
	_ =	strace $0x90000047  }
0x40: {  	s0 =	sadd.s32 @!p0 $0x100000, s1;
	[bflag:$0x2] =	sbarrier.arrive $0xFFFF  }
0x41: {  	[sflag:s0] =	ssyncadd.tile.s32 @!p0 $0x1;
	_ =	shalt  }
.Lfunc_end2:
_tile_overlayer_lowered:
.L_overlay_start_2:
0x42: {  	(tag) =	ssettag $0x2  }
0x43: {  	s0 =	rddreg [dreg:$0x0];
	s2 =	stileid.u32  }
0x44: {  	s1 =	rddreg [dreg:$0x1];
	p0 =	sne.s32 s2, $0x0  }
0x45: {  	s3 =	rddreg [dreg:$0x2];
	[bflag:$0x3] =	sbarrier.arrive $0xFFFF;
	s2 =	simm.s32 @!p0 $0x1C03  }
0x46: {  	[timem:s3], [sflag:s2] =	dma.local @!p0 [hbm:s0], s1  }
0x47: {  	s0 =	simm.s32 @!p0 $0x3  }
0x48: {  	_ =	swait.ge @!p0 [sflag:s0], s1  }
0x49: {  	s1 =	ssub.s32 @!p0 $0x0, s1;
	[sflag:s0] =	ssyncset.done @!p0 $0x0  }
0x4a: {  	[sflag:s0] =	ssyncadd.s32 @!p0 s1  }
0x4b: {  	[bflag:$0x3] =	sbarrier.arrive $0xFFFF  }
0x4c: {  	_ =	shalt  }

</sc_bundles>
